<compile_context>
chip_gen: v7x
topology: tpu7x:2x2x1
jax: 0.10.2.dev20260603
libtpu: 0.0.44.dev20260713+nightly
codegen_flags: <defaults>
</compile_context>

<pallas_src>
import functools

import jax
import jax.numpy as jnp
from jax import lax
from jax.experimental import pallas as pl
from jax.experimental.pallas import tpu as pltpu
from jax.experimental.pallas import tpu_sc as plsc

_N = 10000
_E = 320000
_D = 128
_NC = 2
_NS = 16
_NW = _NC * _NS
_EPT = _E // _NW
_K = 80
_NCHUNK = _EPT // _K
_NPAD = 10240
_RPT = _NPAD // _NS
_L = 16

_mesh = plsc.VectorSubcoreMesh(core_axis_name="c", subcore_axis_name="s")
_sc_params = pltpu.CompilerParams(needs_layout_passes=False,
                                  use_tc_tiling_on_sc=False)



@functools.partial(
    pl.kernel,
    out_type=jax.ShapeDtypeStruct((_NC, _NPAD, 1), jnp.float32),
    mesh=_mesh,
    scratch_types=[
        pltpu.VMEM((1, _EPT), jnp.int32),
        pltpu.VMEM((_NPAD,), jnp.float32),
        pltpu.VMEM((_NS, _RPT), jnp.float32),
        pltpu.VMEM((_RPT, 1), jnp.float32),
        pltpu.VMEM_SHARED((_NS, _NPAD), jnp.float32),
    ],
    compiler_params=_sc_params,
)
def _sc_degree(dst_hbm, out_hbm, dst_v, deg_v, red_v, col_v, stage_s):
    cid = lax.axis_index("c")
    sid = lax.axis_index("s")
    wid = cid * _NS + sid
    pltpu.sync_copy(dst_hbm.at[wid], dst_v)
    zf = jnp.zeros((_L,), jnp.float32)
    zi = jnp.zeros((_L,), jnp.int32)
    ramp = lax.iota(jnp.int32, _L)

    def _zero(i, c):
        deg_v[pl.ds(i * _L, _L)] = zf
        return c

    lax.fori_loop(0, _NPAD // _L, _zero, 0)
    ones = jnp.ones((_L,), jnp.float32)

    def _acc(i, c):
        idx = dst_v[0, pl.ds(i * _L, _L)]
        plsc.addupdate_scatter(deg_v, [idx], ones)
        return c

    lax.fori_loop(0, _EPT // _L, _acc, 0)
    pltpu.sync_copy(deg_v, stage_s.at[sid])
    plsc.subcore_barrier()
    base = pl.multiple_of(sid * _RPT, 128)
    pltpu.sync_copy(stage_s.at[:, pl.ds(base, _RPT)], red_v)

    def _red(c, carry):
        acc = red_v[0, pl.ds(c * _L, _L)]
        for r in range(1, _NS):
            acc = acc + red_v[r, pl.ds(c * _L, _L)]
        plsc.store_scatter(col_v, [ramp + c * _L, zi], acc)
        return carry

    lax.fori_loop(0, _RPT // _L, _red, 0)
    pltpu.sync_copy(col_v, out_hbm.at[cid, pl.ds(base, _RPT)])



@functools.partial(
    pl.kernel,
    out_type=jax.ShapeDtypeStruct((_NC, _NPAD, _D), jnp.float32),
    mesh=_mesh,
    scratch_types=[
        pltpu.VMEM((_NCHUNK, _K), jnp.int32),
        pltpu.VMEM((_NCHUNK, _K), jnp.int32),
        pltpu.VMEM((_K, _D), jnp.float32),
        pltpu.VMEM((_K, _D), jnp.float32),
        pltpu.VMEM_SHARED((_NPAD, _D), jnp.float32),
        pltpu.SemaphoreType.DMA,
        pltpu.SemaphoreType.DMA,
    ],
    compiler_params=_sc_params,
)
def _sc_scatter(g_hbm, src_hbm, dst_hbm, parts_hbm,
                src_v, dst_v, rows_a, rows_b, accum_s, sema, semb):
    cid = lax.axis_index("c")
    sid = lax.axis_index("s")
    wid = cid * _NS + sid
    pltpu.sync_copy(src_hbm.at[wid], src_v)
    pltpu.sync_copy(dst_hbm.at[wid], dst_v)

    zeros = jnp.zeros((_L,), jnp.float32)

    def _zrow(r, c):
        def _zcol(q, c2):
            rows_a[r, pl.ds(q * _L, _L)] = zeros
            return c2
        return lax.fori_loop(0, _D // _L, _zcol, c)

    lax.fori_loop(0, _K, _zrow, 0)
    base = pl.multiple_of(sid * _RPT, 8)

    def _zcp(t, c):
        off = pl.multiple_of(base + t * _K, 8)
        pltpu.sync_copy(rows_a, accum_s.at[pl.ds(off, _K)])
        return c

    lax.fori_loop(0, _RPT // _K, _zcp, 0)
    plsc.subcore_barrier()

    pltpu.async_copy(g_hbm.at[src_v.at[0]], rows_a, sema)
    pltpu.async_copy(g_hbm.at[src_v.at[1]], rows_b, semb)

    def _pair(t, c):
        j0 = t * 2
        pltpu.make_async_copy(g_hbm.at[pl.ds(0, _K)], rows_a, sema).wait()
        pltpu.sync_copy(rows_a, accum_s.at[dst_v.at[j0]], add=True)
        pltpu.async_copy(g_hbm.at[src_v.at[j0 + 2]], rows_a, sema)
        pltpu.make_async_copy(g_hbm.at[pl.ds(0, _K)], rows_b, semb).wait()
        pltpu.sync_copy(rows_b, accum_s.at[dst_v.at[j0 + 1]], add=True)
        pltpu.async_copy(g_hbm.at[src_v.at[j0 + 3]], rows_b, semb)
        return c

    lax.fori_loop(0, (_NCHUNK - 3) // 2, _pair, 0)
    pltpu.make_async_copy(g_hbm.at[pl.ds(0, _K)], rows_a, sema).wait()
    pltpu.sync_copy(rows_a, accum_s.at[dst_v.at[_NCHUNK - 3]], add=True)
    pltpu.async_copy(g_hbm.at[src_v.at[_NCHUNK - 1]], rows_a, sema)
    pltpu.make_async_copy(g_hbm.at[pl.ds(0, _K)], rows_b, semb).wait()
    pltpu.sync_copy(rows_b, accum_s.at[dst_v.at[_NCHUNK - 2]], add=True)
    pltpu.make_async_copy(g_hbm.at[pl.ds(0, _K)], rows_a, sema).wait()
    pltpu.sync_copy(rows_a, accum_s.at[dst_v.at[_NCHUNK - 1]], add=True)
    plsc.subcore_barrier()
    pltpu.sync_copy(accum_s.at[pl.ds(base, _RPT)],
                    parts_hbm.at[cid, pl.ds(base, _RPT)])



_R = 2000
_GRID = _N // _R


def _pre_body(degp_ref, x_ref, w_ref, dis_ref, g_ref):
    deg = degp_ref[0] + degp_ref[1] + 1.0
    dis = lax.rsqrt(deg)
    dis_ref[...] = dis
    h = jnp.dot(x_ref[...], w_ref[...], preferred_element_type=jnp.float32)
    g_ref[...] = h * dis


_pre_call = pl.pallas_call(
    _pre_body,
    grid=(_GRID,),
    in_specs=[
        pl.BlockSpec((_NC, _R, 1), lambda i: (0, i, 0)),
        pl.BlockSpec((_R, _D), lambda i: (i, 0)),
        pl.BlockSpec((_D, _D), lambda i: (0, 0)),
    ],
    out_specs=[
        pl.BlockSpec((_R, 1), lambda i: (i, 0)),
        pl.BlockSpec((_R, _D), lambda i: (i, 0)),
    ],
    out_shape=[
        jax.ShapeDtypeStruct((_N, 1), jnp.float32),
        jax.ShapeDtypeStruct((_N, _D), jnp.float32),
    ],
)


def _mid_body(p_ref, g_ref, dis_ref, b_ref, w_ref, o_ref):
    s = p_ref[0] + p_ref[1] + g_ref[...]
    h1 = jnp.maximum(s * dis_ref[...] + b_ref[...], 0.0)
    o_ref[...] = jnp.dot(h1, w_ref[...],
                         preferred_element_type=jnp.float32) * dis_ref[...]


_mid_call = pl.pallas_call(
    _mid_body,
    grid=(_GRID,),
    in_specs=[
        pl.BlockSpec((_NC, _R, _D), lambda i: (0, i, 0)),
        pl.BlockSpec((_R, _D), lambda i: (i, 0)),
        pl.BlockSpec((_R, 1), lambda i: (i, 0)),
        pl.BlockSpec((1, _D), lambda i: (0, 0)),
        pl.BlockSpec((_D, _D), lambda i: (0, 0)),
    ],
    out_specs=pl.BlockSpec((_R, _D), lambda i: (i, 0)),
    out_shape=jax.ShapeDtypeStruct((_N, _D), jnp.float32),
)


def _fin_body(p_ref, g_ref, dis_ref, b_ref, o_ref):
    o_ref[...] = (p_ref[0] + p_ref[1] + g_ref[...]) * dis_ref[...] + b_ref[...]


_fin_call = pl.pallas_call(
    _fin_body,
    grid=(_GRID,),
    in_specs=[
        pl.BlockSpec((_NC, _R, _D), lambda i: (0, i, 0)),
        pl.BlockSpec((_R, _D), lambda i: (i, 0)),
        pl.BlockSpec((_R, 1), lambda i: (i, 0)),
        pl.BlockSpec((1, _D), lambda i: (0, 0)),
    ],
    out_specs=pl.BlockSpec((_R, _D), lambda i: (i, 0)),
    out_shape=jax.ShapeDtypeStruct((_N, _D), jnp.float32),
)


def kernel(x, edge_index, W1, b1, W2, b2):
    src = edge_index[0]
    dst = edge_index[1]
    dst2 = dst.reshape(_NW, 1, _EPT)
    src3 = src.reshape(_NW, _NCHUNK, _K)
    dst3 = dst.reshape(_NW, _NCHUNK, _K)
    b1r = b1.reshape(1, _D)
    b2r = b2.reshape(1, _D)

    degp = _sc_degree(dst2)
    dis, g1 = _pre_call(degp, x, W1)
    parts1 = _sc_scatter(g1, src3, dst3)
    g2 = _mid_call(parts1, g1, dis, b1r, W2)
    parts2 = _sc_scatter(g2, src3, dst3)
    return _fin_call(parts2, g2, dis, b2r)

# --- scband reference (transcript-rebuilt; emitter-appended) ---
"""Pipeline reference for scband-gcnencoder-446676599434 (READ-ONLY COPY).

The authoritative reference and input builder live on the scoring server;
editing this copy changes nothing except your own understanding.
"""

import jax, jax.numpy as jnp
import numpy as np

N_NODES = 10000
N_EDGES = 320000
D_IN = 128
D_HID = 128
D_OUT = 128


def setup_inputs(seed: int = 0) -> dict:
    key = jax.random.key(seed)
    k_x, k_e, k_w1, k_b1, k_w2, k_b2 = jax.random.split(key, 6)
    x = jax.random.normal(k_x, (N_NODES, D_IN), dtype=jnp.float32)
    edge_index = jax.random.randint(k_e, (2, N_EDGES), 0, N_NODES, dtype=jnp.int64 if jax.config.jax_enable_x64 else jnp.int32).astype(jnp.int32)
    W1 = jax.random.normal(k_w1, (D_IN, D_HID), dtype=jnp.float32) * (1.0 / np.sqrt(D_IN))
    b1 = jnp.zeros((D_HID,), dtype=jnp.float32)
    W2 = jax.random.normal(k_w2, (D_HID, D_OUT), dtype=jnp.float32) * (1.0 / np.sqrt(D_HID))
    b2 = jnp.zeros((D_OUT,), dtype=jnp.float32)
    return {"x": x, "edge_index": edge_index, "W1": W1, "b1": b1, "W2": W2, "b2": b2}


def _gcn_conv(x, edge_index, W, b):
    # Faithful to torch_geometric GCNConv: add self-loops, symmetric norm, aggregate at dst.
    N = x.shape[0]
    loop = jnp.arange(N, dtype=edge_index.dtype)
    src = jnp.concatenate([edge_index[0], loop])
    dst = jnp.concatenate([edge_index[1], loop])
    h = x @ W
    deg = jnp.zeros((N,), dtype=x.dtype).at[dst].add(1.0)
    deg_inv_sqrt = jnp.where(deg > 0, jax.lax.rsqrt(jnp.maximum(deg, 1e-12)), 0.0)
    norm = deg_inv_sqrt[src] * deg_inv_sqrt[dst]
    msg = h[src] * norm[:, None]
    out = jnp.zeros((N, h.shape[1]), dtype=x.dtype).at[dst].add(msg)
    return out + b


def reference(x, edge_index, W1, b1, W2, b2):
    h1 = jax.nn.relu(_gcn_conv(x, edge_index, W1, b1))
    # dropout p=0.0 -> identity
    h2 = _gcn_conv(h1, edge_index, W2, b2)
    return h2

if __name__ == "__main__":
    import jax
    _d = setup_inputs()
    print(jax.jit(kernel)(*tuple(_d.values())))

</pallas_src>

<mosaic_0001>
#map = affine_map<(d0, d1) -> (0, 0, 0)>
module attributes {stable_mosaic.version = 14 : i64} {
  func.func @_sc_degree(%arg0: i32, %arg1: i32, %arg2: memref<32x1x10000xi32, #tpu.memory_space<hbm>>, %arg3: memref<2x10240x1xf32, #tpu.memory_space<hbm>>, %arg4: memref<1x10000xi32, #tpu.memory_space<vmem>>, %arg5: memref<10240xf32, #tpu.memory_space<vmem>>, %arg6: memref<16x640xf32, #tpu.memory_space<vmem>>, %arg7: memref<640x1xf32, #tpu.memory_space<vmem>>, %arg8: memref<16x10240xf32, #tpu.memory_space<vmem_shared>>) attributes {dimension_semantics = [#tpu.dimension_semantics<core_parallel>, #tpu.dimension_semantics<subcore_parallel>], iteration_bounds = array<i64: 2, 16>, scalar_prefetch = 0 : i64, scratch_operands = 5 : i64, tpu.core_type = #tpu.core_type<sc_vector_subcore>, window_params = [{transform_indices = #map}, {transform_indices = #map}]} {
    %mul3A = arith.constant 16 : i32
    %mul3A_0 = arith.muli %arg0, %mul3A : i32
    %add3A = arith.addi %mul3A_0, %arg1 : i32
    "tpu.region"() ({
      %run_scoped3A = tpu.sem_alloc : memref<!tpu.dma_semaphore, #tpu.memory_space<semaphore_mem>>
      %dma_start3A = arith.constant 0 : i32
      %dma_start3A_25 = arith.constant 0 : i32
      %dma_start3A_26 = tpu.memref_slice %arg2[%add3A, %dma_start3A, %dma_start3A_25] : memref<32x1x10000xi32, #tpu.memory_space<hbm>> -> memref<1x1x10000xi32, #tpu.memory_space<hbm>>
      %dma_start3A_27 = tpu.memref_squeeze %dma_start3A_26 : memref<1x1x10000xi32, #tpu.memory_space<hbm>> -> memref<1x10000xi32, #tpu.memory_space<hbm>>
      %dma_start3A_28 = arith.constant 0 : i32
      %dma_start3A_29 = arith.constant 0 : i32
      %dma_start3A_30 = tpu.memref_slice %arg2[%add3A, %dma_start3A_28, %dma_start3A_29] : memref<32x1x10000xi32, #tpu.memory_space<hbm>> -> memref<1x1x10000xi32, #tpu.memory_space<hbm>>
      %dma_start3A_31 = tpu.memref_squeeze %dma_start3A_30 : memref<1x1x10000xi32, #tpu.memory_space<hbm>> -> memref<1x10000xi32, #tpu.memory_space<hbm>>
      tpu.enqueue_dma source(%dma_start3A_31 : memref<1x10000xi32, #tpu.memory_space<hbm>>) target(%arg4 : memref<1x10000xi32, #tpu.memory_space<vmem>>) target_semaphore(%run_scoped3A : memref<!tpu.dma_semaphore, #tpu.memory_space<semaphore_mem>>)
      %dma_wait3A = arith.constant 0 : i32
      %dma_wait3A_32 = arith.constant 0 : i32
      %dma_wait3A_33 = tpu.memref_slice %arg2[%add3A, %dma_wait3A, %dma_wait3A_32] : memref<32x1x10000xi32, #tpu.memory_space<hbm>> -> memref<1x1x10000xi32, #tpu.memory_space<hbm>>
      %dma_wait3A_34 = tpu.memref_squeeze %dma_wait3A_33 : memref<1x1x10000xi32, #tpu.memory_space<hbm>> -> memref<1x10000xi32, #tpu.memory_space<hbm>>
      %dma_wait3A_35 = arith.constant 0 : i32
      %dma_wait3A_36 = arith.constant 0 : i32
      %dma_wait3A_37 = tpu.memref_slice %arg2[%add3A, %dma_wait3A_35, %dma_wait3A_36] : memref<32x1x10000xi32, #tpu.memory_space<hbm>> -> memref<1x1x10000xi32, #tpu.memory_space<hbm>>
      %dma_wait3A_38 = tpu.memref_squeeze %dma_wait3A_37 : memref<1x1x10000xi32, #tpu.memory_space<hbm>> -> memref<1x10000xi32, #tpu.memory_space<hbm>>
      tpu.wait_dma2 semaphore(%run_scoped3A : memref<!tpu.dma_semaphore, #tpu.memory_space<semaphore_mem>>) src(%dma_wait3A_38 : memref<1x10000xi32, #tpu.memory_space<hbm>>) dst(%arg4 : memref<1x10000xi32, #tpu.memory_space<vmem>>)
      tpu.yield
    }) : () -> ()
    %broadcast_in_dim3A = arith.constant 0.000000e+00 : f32
    %broadcast_in_dim3A_1 = vector.broadcast %broadcast_in_dim3A : f32 to vector<16xf32>
    %broadcast_in_dim3A_2 = arith.constant 0 : i32
    %broadcast_in_dim3A_3 = vector.broadcast %broadcast_in_dim3A_2 : i32 to vector<16xi32>
    %iota3A = tpu.iota {dimensions = array<i32: 0>} : vector<16xi32>
    %scan3A = arith.constant 0 : i32
    %scan3A_4 = arith.constant 0 : i32
    %scan3A_5 = arith.constant 640 : i32
    %scan3A_6 = arith.addi %scan3A_4, %scan3A_5 : i32
    %scan3A_7 = arith.constant 1 : i32
    scf.for %scan3A_25 = %scan3A_4 to %scan3A_6 step %scan3A_7  : i32 {
      %mul3A_26 = arith.constant 16 : i32
      %mul3A_27 = arith.muli %scan3A_25, %mul3A_26 : i32
      %swap3A = arith.index_cast %mul3A_27 : i32 to index
      %swap3A_28 = tpu.vector_load %arg5[%swap3A] {strides = array<i32>} : memref<10240xf32, #tpu.memory_space<vmem>>, vector<16xf32>,
      tpu.vector_store %arg5[%swap3A], %broadcast_in_dim3A_1 {strides = array<i32>} : memref<10240xf32, #tpu.memory_space<vmem>>, vector<16xf32>,
    }
    %scan3A_8 = arith.constant 640 : i32
    %broadcast_in_dim3A_9 = arith.constant 1.000000e+00 : f32
    %broadcast_in_dim3A_10 = vector.broadcast %broadcast_in_dim3A_9 : f32 to vector<16xf32>
    %scan3A_11 = arith.constant 0 : i32
    %scan3A_12 = arith.constant 0 : i32
    %scan3A_13 = arith.constant 625 : i32
    %scan3A_14 = arith.addi %scan3A_12, %scan3A_13 : i32
    %scan3A_15 = arith.constant 1 : i32
    scf.for %scan3A_25 = %scan3A_12 to %scan3A_14 step %scan3A_15  : i32 {
      %mul3A_26 = arith.constant 16 : i32
      %mul3A_27 = arith.muli %scan3A_25, %mul3A_26 : i32
      %get3A = arith.constant 0 : i32
      %get3A_28 = arith.index_cast %get3A : i32 to index
      %get3A_29 = arith.index_cast %mul3A_27 : i32 to index
      %get3A_30 = tpu.vector_load %arg4[%get3A_28, %get3A_29] {strides = array<i32>} : memref<1x10000xi32, #tpu.memory_space<vmem>>, vector<16xi32>,
      tpu.vector_store_idx %arg5[%get3A_30], %broadcast_in_dim3A_10 {add = true} : memref<10240xf32, #tpu.memory_space<vmem>>[vector<16xi32>], vector<16xf32>,
    }
    %scan3A_16 = arith.constant 625 : i32
    "tpu.region"() ({
      %run_scoped3A = tpu.sem_alloc : memref<!tpu.dma_semaphore, #tpu.memory_space<semaphore_mem>>
      %dma_start3A = arith.constant 0 : i32
      %dma_start3A_25 = tpu.memref_slice %arg8[%arg1, %dma_start3A] : memref<16x10240xf32, #tpu.memory_space<vmem_shared>> -> memref<1x10240xf32, #tpu.memory_space<vmem_shared>>
      %dma_start3A_26 = tpu.memref_squeeze %dma_start3A_25 : memref<1x10240xf32, #tpu.memory_space<vmem_shared>> -> memref<10240xf32, #tpu.memory_space<vmem_shared>>
      %dma_start3A_27 = arith.constant 0 : i32
      %dma_start3A_28 = tpu.memref_slice %arg8[%arg1, %dma_start3A_27] : memref<16x10240xf32, #tpu.memory_space<vmem_shared>> -> memref<1x10240xf32, #tpu.memory_space<vmem_shared>>
      %dma_start3A_29 = tpu.memref_squeeze %dma_start3A_28 : memref<1x10240xf32, #tpu.memory_space<vmem_shared>> -> memref<10240xf32, #tpu.memory_space<vmem_shared>>
      tpu.enqueue_dma source(%arg5 : memref<10240xf32, #tpu.memory_space<vmem>>) target(%dma_start3A_29 : memref<10240xf32, #tpu.memory_space<vmem_shared>>) target_semaphore(%run_scoped3A : memref<!tpu.dma_semaphore, #tpu.memory_space<semaphore_mem>>)
      %dma_wait3A = arith.constant 0 : i32
      %dma_wait3A_30 = tpu.memref_slice %arg8[%arg1, %dma_wait3A] : memref<16x10240xf32, #tpu.memory_space<vmem_shared>> -> memref<1x10240xf32, #tpu.memory_space<vmem_shared>>
      %dma_wait3A_31 = tpu.memref_squeeze %dma_wait3A_30 : memref<1x10240xf32, #tpu.memory_space<vmem_shared>> -> memref<10240xf32, #tpu.memory_space<vmem_shared>>
      %dma_wait3A_32 = arith.constant 0 : i32
      %dma_wait3A_33 = tpu.memref_slice %arg8[%arg1, %dma_wait3A_32] : memref<16x10240xf32, #tpu.memory_space<vmem_shared>> -> memref<1x10240xf32, #tpu.memory_space<vmem_shared>>
      %dma_wait3A_34 = tpu.memref_squeeze %dma_wait3A_33 : memref<1x10240xf32, #tpu.memory_space<vmem_shared>> -> memref<10240xf32, #tpu.memory_space<vmem_shared>>
      tpu.wait_dma2 semaphore(%run_scoped3A : memref<!tpu.dma_semaphore, #tpu.memory_space<semaphore_mem>>) src(%arg5 : memref<10240xf32, #tpu.memory_space<vmem>>) dst(%dma_wait3A_34 : memref<10240xf32, #tpu.memory_space<vmem_shared>>)
      tpu.yield
    }) : () -> ()
    %barrier3A = arith.constant 0 : index
    tpu.barrier barrier_id(%barrier3A)
    %mul3A_17 = arith.constant 640 : i32
    %mul3A_18 = arith.muli %arg1, %mul3A_17 : i32
    %multiple_of3A = tpu.assume_multiple %mul3A_18, 128 : i32
    "tpu.region"() ({
      %run_scoped3A = tpu.sem_alloc : memref<!tpu.dma_semaphore, #tpu.memory_space<semaphore_mem>>
      %dma_start3A = arith.constant 0 : i32
      %dma_start3A_25 = tpu.memref_slice %arg8[%dma_start3A, %multiple_of3A] : memref<16x10240xf32, #tpu.memory_space<vmem_shared>> -> memref<16x640xf32, #tpu.memory_space<vmem_shared>>
      %dma_start3A_26 = arith.constant 0 : i32
      %dma_start3A_27 = tpu.memref_slice %arg8[%dma_start3A_26, %multiple_of3A] : memref<16x10240xf32, #tpu.memory_space<vmem_shared>> -> memref<16x640xf32, #tpu.memory_space<vmem_shared>>
      tpu.enqueue_dma source(%dma_start3A_27 : memref<16x640xf32, #tpu.memory_space<vmem_shared>>) target(%arg6 : memref<16x640xf32, #tpu.memory_space<vmem>>) target_semaphore(%run_scoped3A : memref<!tpu.dma_semaphore, #tpu.memory_space<semaphore_mem>>)
      %dma_wait3A = arith.constant 0 : i32
      %dma_wait3A_28 = tpu.memref_slice %arg8[%dma_wait3A, %multiple_of3A] : memref<16x10240xf32, #tpu.memory_space<vmem_shared>> -> memref<16x640xf32, #tpu.memory_space<vmem_shared>>
      %dma_wait3A_29 = arith.constant 0 : i32
      %dma_wait3A_30 = tpu.memref_slice %arg8[%dma_wait3A_29, %multiple_of3A] : memref<16x10240xf32, #tpu.memory_space<vmem_shared>> -> memref<16x640xf32, #tpu.memory_space<vmem_shared>>
      tpu.wait_dma2 semaphore(%run_scoped3A : memref<!tpu.dma_semaphore, #tpu.memory_space<semaphore_mem>>) src(%dma_wait3A_30 : memref<16x640xf32, #tpu.memory_space<vmem_shared>>) dst(%arg6 : memref<16x640xf32, #tpu.memory_space<vmem>>)
      tpu.yield
    }) : () -> ()
    %scan3A_19 = arith.constant 0 : i32
    %scan3A_20 = arith.constant 0 : i32
    %scan3A_21 = arith.constant 40 : i32
    %scan3A_22 = arith.addi %scan3A_20, %scan3A_21 : i32
    %scan3A_23 = arith.constant 1 : i32
    scf.for %scan3A_25 = %scan3A_20 to %scan3A_22 step %scan3A_23  : i32 {
      %mul3A_26 = arith.constant 16 : i32
      %mul3A_27 = arith.muli %scan3A_25, %mul3A_26 : i32
      %get3A = arith.constant 0 : i32
      %get3A_28 = arith.index_cast %get3A : i32 to index
      %get3A_29 = arith.index_cast %mul3A_27 : i32 to index
      %get3A_30 = tpu.vector_load %arg6[%get3A_28, %get3A_29] {strides = array<i32>} : memref<16x640xf32, #tpu.memory_space<vmem>>, vector<16xf32>,
      %mul3A_31 = arith.constant 16 : i32
      %mul3A_32 = arith.muli %scan3A_25, %mul3A_31 : i32
      %get3A_33 = arith.constant 1 : i32
      %get3A_34 = arith.index_cast %get3A_33 : i32 to index
      %get3A_35 = arith.index_cast %mul3A_32 : i32 to index
      %get3A_36 = tpu.vector_load %arg6[%get3A_34, %get3A_35] {strides = array<i32>} : memref<16x640xf32, #tpu.memory_space<vmem>>, vector<16xf32>,
      %add3A_37 = arith.addf %get3A_30, %get3A_36 : vector<16xf32>
      %mul3A_38 = arith.constant 16 : i32
      %mul3A_39 = arith.muli %scan3A_25, %mul3A_38 : i32
      %get3A_40 = arith.constant 2 : i32
      %get3A_41 = arith.index_cast %get3A_40 : i32 to index
      %get3A_42 = arith.index_cast %mul3A_39 : i32 to index
      %get3A_43 = tpu.vector_load %arg6[%get3A_41, %get3A_42] {strides = array<i32>} : memref<16x640xf32, #tpu.memory_space<vmem>>, vector<16xf32>,
      %add3A_44 = arith.addf %add3A_37, %get3A_43 : vector<16xf32>
      %mul3A_45 = arith.constant 16 : i32
      %mul3A_46 = arith.muli %scan3A_25, %mul3A_45 : i32
      %get3A_47 = arith.constant 3 : i32
      %get3A_48 = arith.index_cast %get3A_47 : i32 to index
      %get3A_49 = arith.index_cast %mul3A_46 : i32 to index
      %get3A_50 = tpu.vector_load %arg6[%get3A_48, %get3A_49] {strides = array<i32>} : memref<16x640xf32, #tpu.memory_space<vmem>>, vector<16xf32>,
      %add3A_51 = arith.addf %add3A_44, %get3A_50 : vector<16xf32>
      %mul3A_52 = arith.constant 16 : i32
      %mul3A_53 = arith.muli %scan3A_25, %mul3A_52 : i32
      %get3A_54 = arith.constant 4 : i32
      %get3A_55 = arith.index_cast %get3A_54 : i32 to index
      %get3A_56 = arith.index_cast %mul3A_53 : i32 to index
      %get3A_57 = tpu.vector_load %arg6[%get3A_55, %get3A_56] {strides = array<i32>} : memref<16x640xf32, #tpu.memory_space<vmem>>, vector<16xf32>,
      %add3A_58 = arith.addf %add3A_51, %get3A_57 : vector<16xf32>
      %mul3A_59 = arith.constant 16 : i32
      %mul3A_60 = arith.muli %scan3A_25, %mul3A_59 : i32
      %get3A_61 = arith.constant 5 : i32
      %get3A_62 = arith.index_cast %get3A_61 : i32 to index
      %get3A_63 = arith.index_cast %mul3A_60 : i32 to index
      %get3A_64 = tpu.vector_load %arg6[%get3A_62, %get3A_63] {strides = array<i32>} : memref<16x640xf32, #tpu.memory_space<vmem>>, vector<16xf32>,
      %add3A_65 = arith.addf %add3A_58, %get3A_64 : vector<16xf32>
      %mul3A_66 = arith.constant 16 : i32
      %mul3A_67 = arith.muli %scan3A_25, %mul3A_66 : i32
      %get3A_68 = arith.constant 6 : i32
      %get3A_69 = arith.index_cast %get3A_68 : i32 to index
      %get3A_70 = arith.index_cast %mul3A_67 : i32 to index
      %get3A_71 = tpu.vector_load %arg6[%get3A_69, %get3A_70] {strides = array<i32>} : memref<16x640xf32, #tpu.memory_space<vmem>>, vector<16xf32>,
      %add3A_72 = arith.addf %add3A_65, %get3A_71 : vector<16xf32>
      %mul3A_73 = arith.constant 16 : i32
      %mul3A_74 = arith.muli %scan3A_25, %mul3A_73 : i32
      %get3A_75 = arith.constant 7 : i32
      %get3A_76 = arith.index_cast %get3A_75 : i32 to index
      %get3A_77 = arith.index_cast %mul3A_74 : i32 to index
      %get3A_78 = tpu.vector_load %arg6[%get3A_76, %get3A_77] {strides = array<i32>} : memref<16x640xf32, #tpu.memory_space<vmem>>, vector<16xf32>,
      %add3A_79 = arith.addf %add3A_72, %get3A_78 : vector<16xf32>
      %mul3A_80 = arith.constant 16 : i32
      %mul3A_81 = arith.muli %scan3A_25, %mul3A_80 : i32
      %get3A_82 = arith.constant 8 : i32
      %get3A_83 = arith.index_cast %get3A_82 : i32 to index
      %get3A_84 = arith.index_cast %mul3A_81 : i32 to index
      %get3A_85 = tpu.vector_load %arg6[%get3A_83, %get3A_84] {strides = array<i32>} : memref<16x640xf32, #tpu.memory_space<vmem>>, vector<16xf32>,
      %add3A_86 = arith.addf %add3A_79, %get3A_85 : vector<16xf32>
      %mul3A_87 = arith.constant 16 : i32
      %mul3A_88 = arith.muli %scan3A_25, %mul3A_87 : i32
      %get3A_89 = arith.constant 9 : i32
      %get3A_90 = arith.index_cast %get3A_89 : i32 to index
      %get3A_91 = arith.index_cast %mul3A_88 : i32 to index
      %get3A_92 = tpu.vector_load %arg6[%get3A_90, %get3A_91] {strides = array<i32>} : memref<16x640xf32, #tpu.memory_space<vmem>>, vector<16xf32>,
      %add3A_93 = arith.addf %add3A_86, %get3A_92 : vector<16xf32>
      %mul3A_94 = arith.constant 16 : i32
      %mul3A_95 = arith.muli %scan3A_25, %mul3A_94 : i32
      %get3A_96 = arith.constant 10 : i32
      %get3A_97 = arith.index_cast %get3A_96 : i32 to index
      %get3A_98 = arith.index_cast %mul3A_95 : i32 to index
      %get3A_99 = tpu.vector_load %arg6[%get3A_97, %get3A_98] {strides = array<i32>} : memref<16x640xf32, #tpu.memory_space<vmem>>, vector<16xf32>,
      %add3A_100 = arith.addf %add3A_93, %get3A_99 : vector<16xf32>
      %mul3A_101 = arith.constant 16 : i32
      %mul3A_102 = arith.muli %scan3A_25, %mul3A_101 : i32
      %get3A_103 = arith.constant 11 : i32
      %get3A_104 = arith.index_cast %get3A_103 : i32 to index
      %get3A_105 = arith.index_cast %mul3A_102 : i32 to index
      %get3A_106 = tpu.vector_load %arg6[%get3A_104, %get3A_105] {strides = array<i32>} : memref<16x640xf32, #tpu.memory_space<vmem>>, vector<16xf32>,
      %add3A_107 = arith.addf %add3A_100, %get3A_106 : vector<16xf32>
      %mul3A_108 = arith.constant 16 : i32
      %mul3A_109 = arith.muli %scan3A_25, %mul3A_108 : i32
      %get3A_110 = arith.constant 12 : i32
      %get3A_111 = arith.index_cast %get3A_110 : i32 to index
      %get3A_112 = arith.index_cast %mul3A_109 : i32 to index
      %get3A_113 = tpu.vector_load %arg6[%get3A_111, %get3A_112] {strides = array<i32>} : memref<16x640xf32, #tpu.memory_space<vmem>>, vector<16xf32>,
      %add3A_114 = arith.addf %add3A_107, %get3A_113 : vector<16xf32>
      %mul3A_115 = arith.constant 16 : i32
      %mul3A_116 = arith.muli %scan3A_25, %mul3A_115 : i32
      %get3A_117 = arith.constant 13 : i32
      %get3A_118 = arith.index_cast %get3A_117 : i32 to index
      %get3A_119 = arith.index_cast %mul3A_116 : i32 to index
      %get3A_120 = tpu.vector_load %arg6[%get3A_118, %get3A_119] {strides = array<i32>} : memref<16x640xf32, #tpu.memory_space<vmem>>, vector<16xf32>,
      %add3A_121 = arith.addf %add3A_114, %get3A_120 : vector<16xf32>
      %mul3A_122 = arith.constant 16 : i32
      %mul3A_123 = arith.muli %scan3A_25, %mul3A_122 : i32
      %get3A_124 = arith.constant 14 : i32
      %get3A_125 = arith.index_cast %get3A_124 : i32 to index
      %get3A_126 = arith.index_cast %mul3A_123 : i32 to index
      %get3A_127 = tpu.vector_load %arg6[%get3A_125, %get3A_126] {strides = array<i32>} : memref<16x640xf32, #tpu.memory_space<vmem>>, vector<16xf32>,
      %add3A_128 = arith.addf %add3A_121, %get3A_127 : vector<16xf32>
      %mul3A_129 = arith.constant 16 : i32
      %mul3A_130 = arith.muli %scan3A_25, %mul3A_129 : i32
      %get3A_131 = arith.constant 15 : i32
      %get3A_132 = arith.index_cast %get3A_131 : i32 to index
      %get3A_133 = arith.index_cast %mul3A_130 : i32 to index
      %get3A_134 = tpu.vector_load %arg6[%get3A_132, %get3A_133] {strides = array<i32>} : memref<16x640xf32, #tpu.memory_space<vmem>>, vector<16xf32>,
      %add3A_135 = arith.addf %add3A_128, %get3A_134 : vector<16xf32>
      %mul3A_136 = arith.constant 16 : i32
      %mul3A_137 = arith.muli %scan3A_25, %mul3A_136 : i32
      %add3A_138 = vector.broadcast %mul3A_137 : i32 to vector<16xi32>
      %add3A_139 = arith.addi %iota3A, %add3A_138 : vector<16xi32>
      tpu.vector_store_idx %arg7[%add3A_139, %broadcast_in_dim3A_3], %add3A_135 : memref<640x1xf32, #tpu.memory_space<vmem>>[vector<16xi32>, vector<16xi32>], vector<16xf32>,
    }
    %scan3A_24 = arith.constant 40 : i32
    "tpu.region"() ({
      %run_scoped3A = tpu.sem_alloc : memref<!tpu.dma_semaphore, #tpu.memory_space<semaphore_mem>>
      %dma_start3A = arith.constant 0 : i32
      %dma_start3A_25 = tpu.memref_slice %arg3[%arg0, %multiple_of3A, %dma_start3A] : memref<2x10240x1xf32, #tpu.memory_space<hbm>> -> memref<1x640x1xf32, #tpu.memory_space<hbm>>
      %dma_start3A_26 = tpu.memref_squeeze %dma_start3A_25 : memref<1x640x1xf32, #tpu.memory_space<hbm>> -> memref<640x1xf32, #tpu.memory_space<hbm>>
      %dma_start3A_27 = arith.constant 0 : i32
      %dma_start3A_28 = tpu.memref_slice %arg3[%arg0, %multiple_of3A, %dma_start3A_27] : memref<2x10240x1xf32, #tpu.memory_space<hbm>> -> memref<1x640x1xf32, #tpu.memory_space<hbm>>
      %dma_start3A_29 = tpu.memref_squeeze %dma_start3A_28 : memref<1x640x1xf32, #tpu.memory_space<hbm>> -> memref<640x1xf32, #tpu.memory_space<hbm>>
      tpu.enqueue_dma source(%arg7 : memref<640x1xf32, #tpu.memory_space<vmem>>) target(%dma_start3A_29 : memref<640x1xf32, #tpu.memory_space<hbm>>) target_semaphore(%run_scoped3A : memref<!tpu.dma_semaphore, #tpu.memory_space<semaphore_mem>>)
      %dma_wait3A = arith.constant 0 : i32
      %dma_wait3A_30 = tpu.memref_slice %arg3[%arg0, %multiple_of3A, %dma_wait3A] : memref<2x10240x1xf32, #tpu.memory_space<hbm>> -> memref<1x640x1xf32, #tpu.memory_space<hbm>>
      %dma_wait3A_31 = tpu.memref_squeeze %dma_wait3A_30 : memref<1x640x1xf32, #tpu.memory_space<hbm>> -> memref<640x1xf32, #tpu.memory_space<hbm>>
      %dma_wait3A_32 = arith.constant 0 : i32
      %dma_wait3A_33 = tpu.memref_slice %arg3[%arg0, %multiple_of3A, %dma_wait3A_32] : memref<2x10240x1xf32, #tpu.memory_space<hbm>> -> memref<1x640x1xf32, #tpu.memory_space<hbm>>
      %dma_wait3A_34 = tpu.memref_squeeze %dma_wait3A_33 : memref<1x640x1xf32, #tpu.memory_space<hbm>> -> memref<640x1xf32, #tpu.memory_space<hbm>>
      tpu.wait_dma2 semaphore(%run_scoped3A : memref<!tpu.dma_semaphore, #tpu.memory_space<semaphore_mem>>) src(%arg7 : memref<640x1xf32, #tpu.memory_space<vmem>>) dst(%dma_wait3A_34 : memref<640x1xf32, #tpu.memory_space<hbm>>)
      tpu.yield
    }) : () -> ()
    return
  }
}

#map = affine_map<(d0, d1) -> (0, 0)>
#map1 = affine_map<(d0, d1) -> (0, 0, 0)>
module attributes {stable_mosaic.version = 14 : i64} {
  func.func @_sc_scatter(%arg0: i32, %arg1: i32, %arg2: memref<10000x128xf32, #tpu.memory_space<hbm>>, %arg3: memref<32x125x80xi32, #tpu.memory_space<hbm>>, %arg4: memref<32x125x80xi32, #tpu.memory_space<hbm>>, %arg5: memref<2x10240x128xf32, #tpu.memory_space<hbm>>, %arg6: memref<125x80xi32, #tpu.memory_space<vmem>>, %arg7: memref<125x80xi32, #tpu.memory_space<vmem>>, %arg8: memref<80x128xf32, #tpu.memory_space<vmem>>, %arg9: memref<80x128xf32, #tpu.memory_space<vmem>>, %arg10: memref<10240x128xf32, #tpu.memory_space<vmem_shared>>, %arg11: memref<!tpu.dma_semaphore, #tpu.memory_space<semaphore_mem>>, %arg12: memref<!tpu.dma_semaphore, #tpu.memory_space<semaphore_mem>>) attributes {dimension_semantics = [#tpu.dimension_semantics<core_parallel>, #tpu.dimension_semantics<subcore_parallel>], iteration_bounds = array<i64: 2, 16>, scalar_prefetch = 0 : i64, scratch_operands = 7 : i64, tpu.core_type = #tpu.core_type<sc_vector_subcore>, window_params = [{transform_indices = #map}, {transform_indices = #map1}, {transform_indices = #map1}, {transform_indices = #map1}]} {
    %mul3A = arith.constant 16 : i32
    %mul3A_0 = arith.muli %arg0, %mul3A : i32
    %add3A = arith.addi %mul3A_0, %arg1 : i32
    "tpu.region"() ({
      %run_scoped3A_61 = tpu.sem_alloc : memref<!tpu.dma_semaphore, #tpu.memory_space<semaphore_mem>>
      %dma_start3A_62 = arith.constant 0 : i32
      %dma_start3A_63 = arith.constant 0 : i32
      %dma_start3A_64 = tpu.memref_slice %arg3[%add3A, %dma_start3A_62, %dma_start3A_63] : memref<32x125x80xi32, #tpu.memory_space<hbm>> -> memref<1x125x80xi32, #tpu.memory_space<hbm>>
      %dma_start3A_65 = tpu.memref_squeeze %dma_start3A_64 : memref<1x125x80xi32, #tpu.memory_space<hbm>> -> memref<125x80xi32, #tpu.memory_space<hbm>>
      %dma_start3A_66 = arith.constant 0 : i32
      %dma_start3A_67 = arith.constant 0 : i32
      %dma_start3A_68 = tpu.memref_slice %arg3[%add3A, %dma_start3A_66, %dma_start3A_67] : memref<32x125x80xi32, #tpu.memory_space<hbm>> -> memref<1x125x80xi32, #tpu.memory_space<hbm>>
      %dma_start3A_69 = tpu.memref_squeeze %dma_start3A_68 : memref<1x125x80xi32, #tpu.memory_space<hbm>> -> memref<125x80xi32, #tpu.memory_space<hbm>>
      tpu.enqueue_dma source(%dma_start3A_69 : memref<125x80xi32, #tpu.memory_space<hbm>>) target(%arg6 : memref<125x80xi32, #tpu.memory_space<vmem>>) target_semaphore(%run_scoped3A_61 : memref<!tpu.dma_semaphore, #tpu.memory_space<semaphore_mem>>)
      %dma_wait3A_70 = arith.constant 0 : i32
      %dma_wait3A_71 = arith.constant 0 : i32
      %dma_wait3A_72 = tpu.memref_slice %arg3[%add3A, %dma_wait3A_70, %dma_wait3A_71] : memref<32x125x80xi32, #tpu.memory_space<hbm>> -> memref<1x125x80xi32, #tpu.memory_space<hbm>>
      %dma_wait3A_73 = tpu.memref_squeeze %dma_wait3A_72 : memref<1x125x80xi32, #tpu.memory_space<hbm>> -> memref<125x80xi32, #tpu.memory_space<hbm>>
      %dma_wait3A_74 = arith.constant 0 : i32
      %dma_wait3A_75 = arith.constant 0 : i32
      %dma_wait3A_76 = tpu.memref_slice %arg3[%add3A, %dma_wait3A_74, %dma_wait3A_75] : memref<32x125x80xi32, #tpu.memory_space<hbm>> -> memref<1x125x80xi32, #tpu.memory_space<hbm>>
      %dma_wait3A_77 = tpu.memref_squeeze %dma_wait3A_76 : memref<1x125x80xi32, #tpu.memory_space<hbm>> -> memref<125x80xi32, #tpu.memory_space<hbm>>
      tpu.wait_dma2 semaphore(%run_scoped3A_61 : memref<!tpu.dma_semaphore, #tpu.memory_space<semaphore_mem>>) src(%dma_wait3A_77 : memref<125x80xi32, #tpu.memory_space<hbm>>) dst(%arg6 : memref<125x80xi32, #tpu.memory_space<vmem>>)
      tpu.yield
    }) : () -> ()
    "tpu.region"() ({
      %run_scoped3A_61 = tpu.sem_alloc : memref<!tpu.dma_semaphore, #tpu.memory_space<semaphore_mem>>
      %dma_start3A_62 = arith.constant 0 : i32
      %dma_start3A_63 = arith.constant 0 : i32
      %dma_start3A_64 = tpu.memref_slice %arg4[%add3A, %dma_start3A_62, %dma_start3A_63] : memref<32x125x80xi32, #tpu.memory_space<hbm>> -> memref<1x125x80xi32, #tpu.memory_space<hbm>>
      %dma_start3A_65 = tpu.memref_squeeze %dma_start3A_64 : memref<1x125x80xi32, #tpu.memory_space<hbm>> -> memref<125x80xi32, #tpu.memory_space<hbm>>
      %dma_start3A_66 = arith.constant 0 : i32
      %dma_start3A_67 = arith.constant 0 : i32
      %dma_start3A_68 = tpu.memref_slice %arg4[%add3A, %dma_start3A_66, %dma_start3A_67] : memref<32x125x80xi32, #tpu.memory_space<hbm>> -> memref<1x125x80xi32, #tpu.memory_space<hbm>>
      %dma_start3A_69 = tpu.memref_squeeze %dma_start3A_68 : memref<1x125x80xi32, #tpu.memory_space<hbm>> -> memref<125x80xi32, #tpu.memory_space<hbm>>
      tpu.enqueue_dma source(%dma_start3A_69 : memref<125x80xi32, #tpu.memory_space<hbm>>) target(%arg7 : memref<125x80xi32, #tpu.memory_space<vmem>>) target_semaphore(%run_scoped3A_61 : memref<!tpu.dma_semaphore, #tpu.memory_space<semaphore_mem>>)
      %dma_wait3A_70 = arith.constant 0 : i32
      %dma_wait3A_71 = arith.constant 0 : i32
      %dma_wait3A_72 = tpu.memref_slice %arg4[%add3A, %dma_wait3A_70, %dma_wait3A_71] : memref<32x125x80xi32, #tpu.memory_space<hbm>> -> memref<1x125x80xi32, #tpu.memory_space<hbm>>
      %dma_wait3A_73 = tpu.memref_squeeze %dma_wait3A_72 : memref<1x125x80xi32, #tpu.memory_space<hbm>> -> memref<125x80xi32, #tpu.memory_space<hbm>>
      %dma_wait3A_74 = arith.constant 0 : i32
      %dma_wait3A_75 = arith.constant 0 : i32
      %dma_wait3A_76 = tpu.memref_slice %arg4[%add3A, %dma_wait3A_74, %dma_wait3A_75] : memref<32x125x80xi32, #tpu.memory_space<hbm>> -> memref<1x125x80xi32, #tpu.memory_space<hbm>>
      %dma_wait3A_77 = tpu.memref_squeeze %dma_wait3A_76 : memref<1x125x80xi32, #tpu.memory_space<hbm>> -> memref<125x80xi32, #tpu.memory_space<hbm>>
      tpu.wait_dma2 semaphore(%run_scoped3A_61 : memref<!tpu.dma_semaphore, #tpu.memory_space<semaphore_mem>>) src(%dma_wait3A_77 : memref<125x80xi32, #tpu.memory_space<hbm>>) dst(%arg7 : memref<125x80xi32, #tpu.memory_space<vmem>>)
      tpu.yield
    }) : () -> ()
    %broadcast_in_dim3A = arith.constant 0.000000e+00 : f32
    %broadcast_in_dim3A_1 = vector.broadcast %broadcast_in_dim3A : f32 to vector<16xf32>
    %scan3A = arith.constant 0 : i32
    %scan3A_2 = arith.constant 0 : i32
    %scan3A_3 = arith.constant 80 : i32
    %scan3A_4 = arith.addi %scan3A_2, %scan3A_3 : i32
    %scan3A_5 = arith.constant 1 : i32
    scf.for %scan3A_61 = %scan3A_2 to %scan3A_4 step %scan3A_5  : i32 {
      %scan3A_62 = arith.constant 0 : i32
      %scan3A_63 = arith.constant 8 : i32
      %scan3A_64 = arith.addi %scan3A_62, %scan3A_63 : i32
      %scan3A_65 = arith.constant 1 : i32
      scf.for %scan3A_67 = %scan3A_62 to %scan3A_64 step %scan3A_65  : i32 {
        %mul3A_68 = arith.constant 16 : i32
        %mul3A_69 = arith.muli %scan3A_67, %mul3A_68 : i32
        %swap3A = arith.index_cast %scan3A_61 : i32 to index
        %swap3A_70 = arith.index_cast %mul3A_69 : i32 to index
        %swap3A_71 = tpu.vector_load %arg8[%swap3A, %swap3A_70] {strides = array<i32>} : memref<80x128xf32, #tpu.memory_space<vmem>>, vector<16xf32>,
        tpu.vector_store %arg8[%swap3A, %swap3A_70], %broadcast_in_dim3A_1 {strides = array<i32>} : memref<80x128xf32, #tpu.memory_space<vmem>>, vector<16xf32>,
      }
      %scan3A_66 = arith.constant 8 : i32
    }
    %scan3A_6 = arith.constant 80 : i32
    %mul3A_7 = arith.constant 640 : i32
    %mul3A_8 = arith.muli %arg1, %mul3A_7 : i32
    %multiple_of3A = tpu.assume_multiple %mul3A_8, 8 : i32
    %scan3A_9 = arith.constant 0 : i32
    %scan3A_10 = arith.constant 0 : i32
    %scan3A_11 = arith.constant 8 : i32
    %scan3A_12 = arith.addi %scan3A_10, %scan3A_11 : i32
    %scan3A_13 = arith.constant 1 : i32
    scf.for %scan3A_61 = %scan3A_10 to %scan3A_12 step %scan3A_13  : i32 {
      %mul3A_62 = arith.constant 80 : i32
      %mul3A_63 = arith.muli %scan3A_61, %mul3A_62 : i32
      %add3A_64 = arith.addi %multiple_of3A, %mul3A_63 : i32
      %multiple_of3A_65 = tpu.assume_multiple %add3A_64, 8 : i32
      "tpu.region"() ({
        %run_scoped3A_66 = tpu.sem_alloc : memref<!tpu.dma_semaphore, #tpu.memory_space<semaphore_mem>>
        %dma_start3A_67 = arith.constant 0 : i32
        %dma_start3A_68 = tpu.memref_slice %arg10[%multiple_of3A_65, %dma_start3A_67] : memref<10240x128xf32, #tpu.memory_space<vmem_shared>> -> memref<80x128xf32, #tpu.memory_space<vmem_shared>>
        %dma_start3A_69 = arith.constant 0 : i32
        %dma_start3A_70 = tpu.memref_slice %arg10[%multiple_of3A_65, %dma_start3A_69] : memref<10240x128xf32, #tpu.memory_space<vmem_shared>> -> memref<80x128xf32, #tpu.memory_space<vmem_shared>>
        tpu.enqueue_dma source(%arg8 : memref<80x128xf32, #tpu.memory_space<vmem>>) target(%dma_start3A_70 : memref<80x128xf32, #tpu.memory_space<vmem_shared>>) target_semaphore(%run_scoped3A_66 : memref<!tpu.dma_semaphore, #tpu.memory_space<semaphore_mem>>)
        %dma_wait3A_71 = arith.constant 0 : i32
        %dma_wait3A_72 = tpu.memref_slice %arg10[%multiple_of3A_65, %dma_wait3A_71] : memref<10240x128xf32, #tpu.memory_space<vmem_shared>> -> memref<80x128xf32, #tpu.memory_space<vmem_shared>>
        %dma_wait3A_73 = arith.constant 0 : i32
        %dma_wait3A_74 = tpu.memref_slice %arg10[%multiple_of3A_65, %dma_wait3A_73] : memref<10240x128xf32, #tpu.memory_space<vmem_shared>> -> memref<80x128xf32, #tpu.memory_space<vmem_shared>>
        tpu.wait_dma2 semaphore(%run_scoped3A_66 : memref<!tpu.dma_semaphore, #tpu.memory_space<semaphore_mem>>) src(%arg8 : memref<80x128xf32, #tpu.memory_space<vmem>>) dst(%dma_wait3A_74 : memref<80x128xf32, #tpu.memory_space<vmem_shared>>)
        tpu.yield
      }) : () -> ()
    }
    %scan3A_14 = arith.constant 8 : i32
    %barrier3A = arith.constant 0 : index
    tpu.barrier barrier_id(%barrier3A)
    %dma_start3A = arith.constant 0 : i32
    %dma_start3A_15 = arith.constant 0 : i32
    %dma_start3A_16 = tpu.memref_slice %arg6[%dma_start3A, %dma_start3A_15] : memref<125x80xi32, #tpu.memory_space<vmem>> -> memref<1x80xi32, #tpu.memory_space<vmem>>
    %dma_start3A_17 = tpu.memref_squeeze %dma_start3A_16 : memref<1x80xi32, #tpu.memory_space<vmem>> -> memref<80xi32, #tpu.memory_space<vmem>>
    %dma_start3A_18 = arith.constant 0 : i32
    %dma_start3A_19 = arith.constant 0 : i32
    %dma_start3A_20 = tpu.memref_slice %arg2[%dma_start3A_18, %dma_start3A_19] : memref<10000x128xf32, #tpu.memory_space<hbm>> -> memref<10000x128xf32, #tpu.memory_space<hbm>>
    tpu.enqueue_indirect_dma source(%dma_start3A_20 : memref<10000x128xf32, #tpu.memory_space<hbm>>) target(%arg8 : memref<80x128xf32, #tpu.memory_space<vmem>>) offsets(%dma_start3A_17 : memref<80xi32, #tpu.memory_space<vmem>>) semaphore(%arg11 : memref<!tpu.dma_semaphore, #tpu.memory_space<semaphore_mem>>)
    %dma_start3A_21 = arith.constant 1 : i32
    %dma_start3A_22 = arith.constant 0 : i32
    %dma_start3A_23 = tpu.memref_slice %arg6[%dma_start3A_21, %dma_start3A_22] : memref<125x80xi32, #tpu.memory_space<vmem>> -> memref<1x80xi32, #tpu.memory_space<vmem>>
    %dma_start3A_24 = tpu.memref_squeeze %dma_start3A_23 : memref<1x80xi32, #tpu.memory_space<vmem>> -> memref<80xi32, #tpu.memory_space<vmem>>
    %dma_start3A_25 = arith.constant 0 : i32
    %dma_start3A_26 = arith.constant 0 : i32
    %dma_start3A_27 = tpu.memref_slice %arg2[%dma_start3A_25, %dma_start3A_26] : memref<10000x128xf32, #tpu.memory_space<hbm>> -> memref<10000x128xf32, #tpu.memory_space<hbm>>
    tpu.enqueue_indirect_dma source(%dma_start3A_27 : memref<10000x128xf32, #tpu.memory_space<hbm>>) target(%arg9 : memref<80x128xf32, #tpu.memory_space<vmem>>) offsets(%dma_start3A_24 : memref<80xi32, #tpu.memory_space<vmem>>) semaphore(%arg12 : memref<!tpu.dma_semaphore, #tpu.memory_space<semaphore_mem>>)
    %scan3A_28 = arith.constant 0 : i32
    %scan3A_29 = arith.constant 0 : i32
    %scan3A_30 = arith.constant 61 : i32
    %scan3A_31 = arith.addi %scan3A_29, %scan3A_30 : i32
    %scan3A_32 = arith.constant 1 : i32
    scf.for %scan3A_61 = %scan3A_29 to %scan3A_31 step %scan3A_32  : i32 {
      %mul3A_62 = arith.constant 2 : i32
      %mul3A_63 = arith.muli %scan3A_61, %mul3A_62 : i32
      %dma_wait3A_64 = arith.constant 0 : i32
      %dma_wait3A_65 = arith.constant 0 : i32
      %dma_wait3A_66 = tpu.memref_slice %arg2[%dma_wait3A_64, %dma_wait3A_65] : memref<10000x128xf32, #tpu.memory_space<hbm>> -> memref<80x128xf32, #tpu.memory_space<hbm>>
      %dma_wait3A_67 = arith.constant 0 : i32
      %dma_wait3A_68 = arith.constant 0 : i32
      %dma_wait3A_69 = tpu.memref_slice %arg2[%dma_wait3A_67, %dma_wait3A_68] : memref<10000x128xf32, #tpu.memory_space<hbm>> -> memref<80x128xf32, #tpu.memory_space<hbm>>
      tpu.wait_dma2 semaphore(%arg11 : memref<!tpu.dma_semaphore, #tpu.memory_space<semaphore_mem>>) src(%dma_wait3A_69 : memref<80x128xf32, #tpu.memory_space<hbm>>) dst(%arg8 : memref<80x128xf32, #tpu.memory_space<vmem>>)
      "tpu.region"() ({
        %run_scoped3A_94 = tpu.sem_alloc : memref<!tpu.dma_semaphore, #tpu.memory_space<semaphore_mem>>
        %dma_start3A_95 = arith.constant 0 : i32
        %dma_start3A_96 = tpu.memref_slice %arg7[%mul3A_63, %dma_start3A_95] : memref<125x80xi32, #tpu.memory_space<vmem>> -> memref<1x80xi32, #tpu.memory_space<vmem>>
        %dma_start3A_97 = tpu.memref_squeeze %dma_start3A_96 : memref<1x80xi32, #tpu.memory_space<vmem>> -> memref<80xi32, #tpu.memory_space<vmem>>
        %dma_start3A_98 = arith.constant 0 : i32
        %dma_start3A_99 = arith.constant 0 : i32
        %dma_start3A_100 = tpu.memref_slice %arg10[%dma_start3A_98, %dma_start3A_99] : memref<10240x128xf32, #tpu.memory_space<vmem_shared>> -> memref<10240x128xf32, #tpu.memory_space<vmem_shared>>
        tpu.enqueue_indirect_dma source(%arg8 : memref<80x128xf32, #tpu.memory_space<vmem>>) target(%dma_start3A_100 : memref<10240x128xf32, #tpu.memory_space<vmem_shared>>) offsets(%dma_start3A_97 : memref<80xi32, #tpu.memory_space<vmem>>) semaphore(%run_scoped3A_94 : memref<!tpu.dma_semaphore, #tpu.memory_space<semaphore_mem>>) {add = true}
        %dma_wait3A_101 = arith.constant 0 : i32
        %dma_wait3A_102 = tpu.memref_slice %arg7[%mul3A_63, %dma_wait3A_101] : memref<125x80xi32, #tpu.memory_space<vmem>> -> memref<1x80xi32, #tpu.memory_space<vmem>>
        %dma_wait3A_103 = tpu.memref_squeeze %dma_wait3A_102 : memref<1x80xi32, #tpu.memory_space<vmem>> -> memref<80xi32, #tpu.memory_space<vmem>>
        %dma_wait3A_104 = arith.constant 0 : i32
        %dma_wait3A_105 = arith.constant 0 : i32
        %dma_wait3A_106 = tpu.memref_slice %arg10[%dma_wait3A_104, %dma_wait3A_105] : memref<10240x128xf32, #tpu.memory_space<vmem_shared>> -> memref<10240x128xf32, #tpu.memory_space<vmem_shared>>
        tpu.wait_indirect_dma semaphore(%run_scoped3A_94 : memref<!tpu.dma_semaphore, #tpu.memory_space<semaphore_mem>>) src(%arg8 : memref<80x128xf32, #tpu.memory_space<vmem>>) dst(%dma_wait3A_106 : memref<10240x128xf32, #tpu.memory_space<vmem_shared>>)
        tpu.yield
      }) : () -> ()
      %add3A_70 = arith.constant 2 : i32
      %add3A_71 = arith.addi %mul3A_63, %add3A_70 : i32
      %dma_start3A_72 = arith.constant 0 : i32
      %dma_start3A_73 = tpu.memref_slice %arg6[%add3A_71, %dma_start3A_72] : memref<125x80xi32, #tpu.memory_space<vmem>> -> memref<1x80xi32, #tpu.memory_space<vmem>>
      %dma_start3A_74 = tpu.memref_squeeze %dma_start3A_73 : memref<1x80xi32, #tpu.memory_space<vmem>> -> memref<80xi32, #tpu.memory_space<vmem>>
      %dma_start3A_75 = arith.constant 0 : i32
      %dma_start3A_76 = arith.constant 0 : i32
      %dma_start3A_77 = tpu.memref_slice %arg2[%dma_start3A_75, %dma_start3A_76] : memref<10000x128xf32, #tpu.memory_space<hbm>> -> memref<10000x128xf32, #tpu.memory_space<hbm>>
      tpu.enqueue_indirect_dma source(%dma_start3A_77 : memref<10000x128xf32, #tpu.memory_space<hbm>>) target(%arg8 : memref<80x128xf32, #tpu.memory_space<vmem>>) offsets(%dma_start3A_74 : memref<80xi32, #tpu.memory_space<vmem>>) semaphore(%arg11 : memref<!tpu.dma_semaphore, #tpu.memory_space<semaphore_mem>>)
      %dma_wait3A_78 = arith.constant 0 : i32
      %dma_wait3A_79 = arith.constant 0 : i32
      %dma_wait3A_80 = tpu.memref_slice %arg2[%dma_wait3A_78, %dma_wait3A_79] : memref<10000x128xf32, #tpu.memory_space<hbm>> -> memref<80x128xf32, #tpu.memory_space<hbm>>
      %dma_wait3A_81 = arith.constant 0 : i32
      %dma_wait3A_82 = arith.constant 0 : i32
      %dma_wait3A_83 = tpu.memref_slice %arg2[%dma_wait3A_81, %dma_wait3A_82] : memref<10000x128xf32, #tpu.memory_space<hbm>> -> memref<80x128xf32, #tpu.memory_space<hbm>>
      tpu.wait_dma2 semaphore(%arg12 : memref<!tpu.dma_semaphore, #tpu.memory_space<semaphore_mem>>) src(%dma_wait3A_83 : memref<80x128xf32, #tpu.memory_space<hbm>>) dst(%arg9 : memref<80x128xf32, #tpu.memory_space<vmem>>)
      %add3A_84 = arith.constant 1 : i32
      %add3A_85 = arith.addi %mul3A_63, %add3A_84 : i32
      "tpu.region"() ({
        %run_scoped3A_94 = tpu.sem_alloc : memref<!tpu.dma_semaphore, #tpu.memory_space<semaphore_mem>>
        %dma_start3A_95 = arith.constant 0 : i32
        %dma_start3A_96 = tpu.memref_slice %arg7[%add3A_85, %dma_start3A_95] : memref<125x80xi32, #tpu.memory_space<vmem>> -> memref<1x80xi32, #tpu.memory_space<vmem>>
        %dma_start3A_97 = tpu.memref_squeeze %dma_start3A_96 : memref<1x80xi32, #tpu.memory_space<vmem>> -> memref<80xi32, #tpu.memory_space<vmem>>
        %dma_start3A_98 = arith.constant 0 : i32
        %dma_start3A_99 = arith.constant 0 : i32
        %dma_start3A_100 = tpu.memref_slice %arg10[%dma_start3A_98, %dma_start3A_99] : memref<10240x128xf32, #tpu.memory_space<vmem_shared>> -> memref<10240x128xf32, #tpu.memory_space<vmem_shared>>
        tpu.enqueue_indirect_dma source(%arg9 : memref<80x128xf32, #tpu.memory_space<vmem>>) target(%dma_start3A_100 : memref<10240x128xf32, #tpu.memory_space<vmem_shared>>) offsets(%dma_start3A_97 : memref<80xi32, #tpu.memory_space<vmem>>) semaphore(%run_scoped3A_94 : memref<!tpu.dma_semaphore, #tpu.memory_space<semaphore_mem>>) {add = true}
        %dma_wait3A_101 = arith.constant 0 : i32
        %dma_wait3A_102 = tpu.memref_slice %arg7[%add3A_85, %dma_wait3A_101] : memref<125x80xi32, #tpu.memory_space<vmem>> -> memref<1x80xi32, #tpu.memory_space<vmem>>
        %dma_wait3A_103 = tpu.memref_squeeze %dma_wait3A_102 : memref<1x80xi32, #tpu.memory_space<vmem>> -> memref<80xi32, #tpu.memory_space<vmem>>
        %dma_wait3A_104 = arith.constant 0 : i32
        %dma_wait3A_105 = arith.constant 0 : i32
        %dma_wait3A_106 = tpu.memref_slice %arg10[%dma_wait3A_104, %dma_wait3A_105] : memref<10240x128xf32, #tpu.memory_space<vmem_shared>> -> memref<10240x128xf32, #tpu.memory_space<vmem_shared>>
        tpu.wait_indirect_dma semaphore(%run_scoped3A_94 : memref<!tpu.dma_semaphore, #tpu.memory_space<semaphore_mem>>) src(%arg9 : memref<80x128xf32, #tpu.memory_space<vmem>>) dst(%dma_wait3A_106 : memref<10240x128xf32, #tpu.memory_space<vmem_shared>>)
        tpu.yield
      }) : () -> ()
      %add3A_86 = arith.constant 3 : i32
      %add3A_87 = arith.addi %mul3A_63, %add3A_86 : i32
      %dma_start3A_88 = arith.constant 0 : i32
      %dma_start3A_89 = tpu.memref_slice %arg6[%add3A_87, %dma_start3A_88] : memref<125x80xi32, #tpu.memory_space<vmem>> -> memref<1x80xi32, #tpu.memory_space<vmem>>
      %dma_start3A_90 = tpu.memref_squeeze %dma_start3A_89 : memref<1x80xi32, #tpu.memory_space<vmem>> -> memref<80xi32, #tpu.memory_space<vmem>>
      %dma_start3A_91 = arith.constant 0 : i32
      %dma_start3A_92 = arith.constant 0 : i32
      %dma_start3A_93 = tpu.memref_slice %arg2[%dma_start3A_91, %dma_start3A_92] : memref<10000x128xf32, #tpu.memory_space<hbm>> -> memref<10000x128xf32, #tpu.memory_space<hbm>>
      tpu.enqueue_indirect_dma source(%dma_start3A_93 : memref<10000x128xf32, #tpu.memory_space<hbm>>) target(%arg9 : memref<80x128xf32, #tpu.memory_space<vmem>>) offsets(%dma_start3A_90 : memref<80xi32, #tpu.memory_space<vmem>>) semaphore(%arg12 : memref<!tpu.dma_semaphore, #tpu.memory_space<semaphore_mem>>)
    }
    %scan3A_33 = arith.constant 61 : i32
    %dma_wait3A = arith.constant 0 : i32
    %dma_wait3A_34 = arith.constant 0 : i32
    %dma_wait3A_35 = tpu.memref_slice %arg2[%dma_wait3A, %dma_wait3A_34] : memref<10000x128xf32, #tpu.memory_space<hbm>> -> memref<80x128xf32, #tpu.memory_space<hbm>>
    %dma_wait3A_36 = arith.constant 0 : i32
    %dma_wait3A_37 = arith.constant 0 : i32
    %dma_wait3A_38 = tpu.memref_slice %arg2[%dma_wait3A_36, %dma_wait3A_37] : memref<10000x128xf32, #tpu.memory_space<hbm>> -> memref<80x128xf32, #tpu.memory_space<hbm>>
    tpu.wait_dma2 semaphore(%arg11 : memref<!tpu.dma_semaphore, #tpu.memory_space<semaphore_mem>>) src(%dma_wait3A_38 : memref<80x128xf32, #tpu.memory_space<hbm>>) dst(%arg8 : memref<80x128xf32, #tpu.memory_space<vmem>>)
    %run_scoped3A = arith.constant 122 : i32
    "tpu.region"() ({
      %run_scoped3A_61 = tpu.sem_alloc : memref<!tpu.dma_semaphore, #tpu.memory_space<semaphore_mem>>
      %dma_start3A_62 = arith.constant 0 : i32
      %dma_start3A_63 = tpu.memref_slice %arg7[%run_scoped3A, %dma_start3A_62] : memref<125x80xi32, #tpu.memory_space<vmem>> -> memref<1x80xi32, #tpu.memory_space<vmem>>
      %dma_start3A_64 = tpu.memref_squeeze %dma_start3A_63 : memref<1x80xi32, #tpu.memory_space<vmem>> -> memref<80xi32, #tpu.memory_space<vmem>>
      %dma_start3A_65 = arith.constant 0 : i32
      %dma_start3A_66 = arith.constant 0 : i32
      %dma_start3A_67 = tpu.memref_slice %arg10[%dma_start3A_65, %dma_start3A_66] : memref<10240x128xf32, #tpu.memory_space<vmem_shared>> -> memref<10240x128xf32, #tpu.memory_space<vmem_shared>>
      tpu.enqueue_indirect_dma source(%arg8 : memref<80x128xf32, #tpu.memory_space<vmem>>) target(%dma_start3A_67 : memref<10240x128xf32, #tpu.memory_space<vmem_shared>>) offsets(%dma_start3A_64 : memref<80xi32, #tpu.memory_space<vmem>>) semaphore(%run_scoped3A_61 : memref<!tpu.dma_semaphore, #tpu.memory_space<semaphore_mem>>) {add = true}
      %dma_wait3A_68 = arith.constant 0 : i32
      %dma_wait3A_69 = tpu.memref_slice %arg7[%run_scoped3A, %dma_wait3A_68] : memref<125x80xi32, #tpu.memory_space<vmem>> -> memref<1x80xi32, #tpu.memory_space<vmem>>
      %dma_wait3A_70 = tpu.memref_squeeze %dma_wait3A_69 : memref<1x80xi32, #tpu.memory_space<vmem>> -> memref<80xi32, #tpu.memory_space<vmem>>
      %dma_wait3A_71 = arith.constant 0 : i32
      %dma_wait3A_72 = arith.constant 0 : i32
      %dma_wait3A_73 = tpu.memref_slice %arg10[%dma_wait3A_71, %dma_wait3A_72] : memref<10240x128xf32, #tpu.memory_space<vmem_shared>> -> memref<10240x128xf32, #tpu.memory_space<vmem_shared>>
      tpu.wait_indirect_dma semaphore(%run_scoped3A_61 : memref<!tpu.dma_semaphore, #tpu.memory_space<semaphore_mem>>) src(%arg8 : memref<80x128xf32, #tpu.memory_space<vmem>>) dst(%dma_wait3A_73 : memref<10240x128xf32, #tpu.memory_space<vmem_shared>>)
      tpu.yield
    }) : () -> ()
    %dma_start3A_39 = arith.constant 124 : i32
    %dma_start3A_40 = arith.constant 0 : i32
    %dma_start3A_41 = tpu.memref_slice %arg6[%dma_start3A_39, %dma_start3A_40] : memref<125x80xi32, #tpu.memory_space<vmem>> -> memref<1x80xi32, #tpu.memory_space<vmem>>
    %dma_start3A_42 = tpu.memref_squeeze %dma_start3A_41 : memref<1x80xi32, #tpu.memory_space<vmem>> -> memref<80xi32, #tpu.memory_space<vmem>>
    %dma_start3A_43 = arith.constant 0 : i32
    %dma_start3A_44 = arith.constant 0 : i32
    %dma_start3A_45 = tpu.memref_slice %arg2[%dma_start3A_43, %dma_start3A_44] : memref<10000x128xf32, #tpu.memory_space<hbm>> -> memref<10000x128xf32, #tpu.memory_space<hbm>>
    tpu.enqueue_indirect_dma source(%dma_start3A_45 : memref<10000x128xf32, #tpu.memory_space<hbm>>) target(%arg8 : memref<80x128xf32, #tpu.memory_space<vmem>>) offsets(%dma_start3A_42 : memref<80xi32, #tpu.memory_space<vmem>>) semaphore(%arg11 : memref<!tpu.dma_semaphore, #tpu.memory_space<semaphore_mem>>)
    %dma_wait3A_46 = arith.constant 0 : i32
    %dma_wait3A_47 = arith.constant 0 : i32
    %dma_wait3A_48 = tpu.memref_slice %arg2[%dma_wait3A_46, %dma_wait3A_47] : memref<10000x128xf32, #tpu.memory_space<hbm>> -> memref<80x128xf32, #tpu.memory_space<hbm>>
    %dma_wait3A_49 = arith.constant 0 : i32
    %dma_wait3A_50 = arith.constant 0 : i32
    %dma_wait3A_51 = tpu.memref_slice %arg2[%dma_wait3A_49, %dma_wait3A_50] : memref<10000x128xf32, #tpu.memory_space<hbm>> -> memref<80x128xf32, #tpu.memory_space<hbm>>
    tpu.wait_dma2 semaphore(%arg12 : memref<!tpu.dma_semaphore, #tpu.memory_space<semaphore_mem>>) src(%dma_wait3A_51 : memref<80x128xf32, #tpu.memory_space<hbm>>) dst(%arg9 : memref<80x128xf32, #tpu.memory_space<vmem>>)
    %run_scoped3A_52 = arith.constant 123 : i32
    "tpu.region"() ({
      %run_scoped3A_61 = tpu.sem_alloc : memref<!tpu.dma_semaphore, #tpu.memory_space<semaphore_mem>>
      %dma_start3A_62 = arith.constant 0 : i32
      %dma_start3A_63 = tpu.memref_slice %arg7[%run_scoped3A_52, %dma_start3A_62] : memref<125x80xi32, #tpu.memory_space<vmem>> -> memref<1x80xi32, #tpu.memory_space<vmem>>
      %dma_start3A_64 = tpu.memref_squeeze %dma_start3A_63 : memref<1x80xi32, #tpu.memory_space<vmem>> -> memref<80xi32, #tpu.memory_space<vmem>>
      %dma_start3A_65 = arith.constant 0 : i32
      %dma_start3A_66 = arith.constant 0 : i32
      %dma_start3A_67 = tpu.memref_slice %arg10[%dma_start3A_65, %dma_start3A_66] : memref<10240x128xf32, #tpu.memory_space<vmem_shared>> -> memref<10240x128xf32, #tpu.memory_space<vmem_shared>>
      tpu.enqueue_indirect_dma source(%arg9 : memref<80x128xf32, #tpu.memory_space<vmem>>) target(%dma_start3A_67 : memref<10240x128xf32, #tpu.memory_space<vmem_shared>>) offsets(%dma_start3A_64 : memref<80xi32, #tpu.memory_space<vmem>>) semaphore(%run_scoped3A_61 : memref<!tpu.dma_semaphore, #tpu.memory_space<semaphore_mem>>) {add = true}
      %dma_wait3A_68 = arith.constant 0 : i32
      %dma_wait3A_69 = tpu.memref_slice %arg7[%run_scoped3A_52, %dma_wait3A_68] : memref<125x80xi32, #tpu.memory_space<vmem>> -> memref<1x80xi32, #tpu.memory_space<vmem>>
      %dma_wait3A_70 = tpu.memref_squeeze %dma_wait3A_69 : memref<1x80xi32, #tpu.memory_space<vmem>> -> memref<80xi32, #tpu.memory_space<vmem>>
      %dma_wait3A_71 = arith.constant 0 : i32
      %dma_wait3A_72 = arith.constant 0 : i32
      %dma_wait3A_73 = tpu.memref_slice %arg10[%dma_wait3A_71, %dma_wait3A_72] : memref<10240x128xf32, #tpu.memory_space<vmem_shared>> -> memref<10240x128xf32, #tpu.memory_space<vmem_shared>>
      tpu.wait_indirect_dma semaphore(%run_scoped3A_61 : memref<!tpu.dma_semaphore, #tpu.memory_space<semaphore_mem>>) src(%arg9 : memref<80x128xf32, #tpu.memory_space<vmem>>) dst(%dma_wait3A_73 : memref<10240x128xf32, #tpu.memory_space<vmem_shared>>)
      tpu.yield
    }) : () -> ()
    %dma_wait3A_53 = arith.constant 0 : i32
    %dma_wait3A_54 = arith.constant 0 : i32
    %dma_wait3A_55 = tpu.memref_slice %arg2[%dma_wait3A_53, %dma_wait3A_54] : memref<10000x128xf32, #tpu.memory_space<hbm>> -> memref<80x128xf32, #tpu.memory_space<hbm>>
    %dma_wait3A_56 = arith.constant 0 : i32
    %dma_wait3A_57 = arith.constant 0 : i32
    %dma_wait3A_58 = tpu.memref_slice %arg2[%dma_wait3A_56, %dma_wait3A_57] : memref<10000x128xf32, #tpu.memory_space<hbm>> -> memref<80x128xf32, #tpu.memory_space<hbm>>
    tpu.wait_dma2 semaphore(%arg11 : memref<!tpu.dma_semaphore, #tpu.memory_space<semaphore_mem>>) src(%dma_wait3A_58 : memref<80x128xf32, #tpu.memory_space<hbm>>) dst(%arg8 : memref<80x128xf32, #tpu.memory_space<vmem>>)
    %run_scoped3A_59 = arith.constant 124 : i32
    "tpu.region"() ({
      %run_scoped3A_61 = tpu.sem_alloc : memref<!tpu.dma_semaphore, #tpu.memory_space<semaphore_mem>>
      %dma_start3A_62 = arith.constant 0 : i32
      %dma_start3A_63 = tpu.memref_slice %arg7[%run_scoped3A_59, %dma_start3A_62] : memref<125x80xi32, #tpu.memory_space<vmem>> -> memref<1x80xi32, #tpu.memory_space<vmem>>
      %dma_start3A_64 = tpu.memref_squeeze %dma_start3A_63 : memref<1x80xi32, #tpu.memory_space<vmem>> -> memref<80xi32, #tpu.memory_space<vmem>>
      %dma_start3A_65 = arith.constant 0 : i32
      %dma_start3A_66 = arith.constant 0 : i32
      %dma_start3A_67 = tpu.memref_slice %arg10[%dma_start3A_65, %dma_start3A_66] : memref<10240x128xf32, #tpu.memory_space<vmem_shared>> -> memref<10240x128xf32, #tpu.memory_space<vmem_shared>>
      tpu.enqueue_indirect_dma source(%arg8 : memref<80x128xf32, #tpu.memory_space<vmem>>) target(%dma_start3A_67 : memref<10240x128xf32, #tpu.memory_space<vmem_shared>>) offsets(%dma_start3A_64 : memref<80xi32, #tpu.memory_space<vmem>>) semaphore(%run_scoped3A_61 : memref<!tpu.dma_semaphore, #tpu.memory_space<semaphore_mem>>) {add = true}
      %dma_wait3A_68 = arith.constant 0 : i32
      %dma_wait3A_69 = tpu.memref_slice %arg7[%run_scoped3A_59, %dma_wait3A_68] : memref<125x80xi32, #tpu.memory_space<vmem>> -> memref<1x80xi32, #tpu.memory_space<vmem>>
      %dma_wait3A_70 = tpu.memref_squeeze %dma_wait3A_69 : memref<1x80xi32, #tpu.memory_space<vmem>> -> memref<80xi32, #tpu.memory_space<vmem>>
      %dma_wait3A_71 = arith.constant 0 : i32
      %dma_wait3A_72 = arith.constant 0 : i32
      %dma_wait3A_73 = tpu.memref_slice %arg10[%dma_wait3A_71, %dma_wait3A_72] : memref<10240x128xf32, #tpu.memory_space<vmem_shared>> -> memref<10240x128xf32, #tpu.memory_space<vmem_shared>>
      tpu.wait_indirect_dma semaphore(%run_scoped3A_61 : memref<!tpu.dma_semaphore, #tpu.memory_space<semaphore_mem>>) src(%arg8 : memref<80x128xf32, #tpu.memory_space<vmem>>) dst(%dma_wait3A_73 : memref<10240x128xf32, #tpu.memory_space<vmem_shared>>)
      tpu.yield
    }) : () -> ()
    %barrier3A_60 = arith.constant 0 : index
    tpu.barrier barrier_id(%barrier3A_60)
    "tpu.region"() ({
      %run_scoped3A_61 = tpu.sem_alloc : memref<!tpu.dma_semaphore, #tpu.memory_space<semaphore_mem>>
      %dma_start3A_62 = arith.constant 0 : i32
      %dma_start3A_63 = tpu.memref_slice %arg5[%arg0, %multiple_of3A, %dma_start3A_62] : memref<2x10240x128xf32, #tpu.memory_space<hbm>> -> memref<1x640x128xf32, #tpu.memory_space<hbm>>
      %dma_start3A_64 = tpu.memref_squeeze %dma_start3A_63 : memref<1x640x128xf32, #tpu.memory_space<hbm>> -> memref<640x128xf32, #tpu.memory_space<hbm>>
      %dma_start3A_65 = arith.constant 0 : i32
      %dma_start3A_66 = tpu.memref_slice %arg10[%multiple_of3A, %dma_start3A_65] : memref<10240x128xf32, #tpu.memory_space<vmem_shared>> -> memref<640x128xf32, #tpu.memory_space<vmem_shared>>
      tpu.enqueue_dma source(%dma_start3A_66 : memref<640x128xf32, #tpu.memory_space<vmem_shared>>) target(%dma_start3A_64 : memref<640x128xf32, #tpu.memory_space<hbm>>) target_semaphore(%run_scoped3A_61 : memref<!tpu.dma_semaphore, #tpu.memory_space<semaphore_mem>>)
      %dma_wait3A_67 = arith.constant 0 : i32
      %dma_wait3A_68 = tpu.memref_slice %arg5[%arg0, %multiple_of3A, %dma_wait3A_67] : memref<2x10240x128xf32, #tpu.memory_space<hbm>> -> memref<1x640x128xf32, #tpu.memory_space<hbm>>
      %dma_wait3A_69 = tpu.memref_squeeze %dma_wait3A_68 : memref<1x640x128xf32, #tpu.memory_space<hbm>> -> memref<640x128xf32, #tpu.memory_space<hbm>>
      %dma_wait3A_70 = arith.constant 0 : i32
      %dma_wait3A_71 = tpu.memref_slice %arg10[%multiple_of3A, %dma_wait3A_70] : memref<10240x128xf32, #tpu.memory_space<vmem_shared>> -> memref<640x128xf32, #tpu.memory_space<vmem_shared>>
      tpu.wait_dma2 semaphore(%run_scoped3A_61 : memref<!tpu.dma_semaphore, #tpu.memory_space<semaphore_mem>>) src(%dma_wait3A_71 : memref<640x128xf32, #tpu.memory_space<vmem_shared>>) dst(%dma_wait3A_69 : memref<640x128xf32, #tpu.memory_space<hbm>>)
      tpu.yield
    }) : () -> ()
    return
  }
}

#map = affine_map<(d0, d1) -> (0, 0)>
#map1 = affine_map<(d0, d1) -> (0, 0, 0)>
module attributes {stable_mosaic.version = 14 : i64} {
  func.func @_sc_scatter(%arg0: i32, %arg1: i32, %arg2: memref<10000x128xf32, #tpu.memory_space<hbm>>, %arg3: memref<32x125x80xi32, #tpu.memory_space<hbm>>, %arg4: memref<32x125x80xi32, #tpu.memory_space<hbm>>, %arg5: memref<2x10240x128xf32, #tpu.memory_space<hbm>>, %arg6: memref<125x80xi32, #tpu.memory_space<vmem>>, %arg7: memref<125x80xi32, #tpu.memory_space<vmem>>, %arg8: memref<80x128xf32, #tpu.memory_space<vmem>>, %arg9: memref<80x128xf32, #tpu.memory_space<vmem>>, %arg10: memref<10240x128xf32, #tpu.memory_space<vmem_shared>>, %arg11: memref<!tpu.dma_semaphore, #tpu.memory_space<semaphore_mem>>, %arg12: memref<!tpu.dma_semaphore, #tpu.memory_space<semaphore_mem>>) attributes {dimension_semantics = [#tpu.dimension_semantics<core_parallel>, #tpu.dimension_semantics<subcore_parallel>], iteration_bounds = array<i64: 2, 16>, scalar_prefetch = 0 : i64, scratch_operands = 7 : i64, tpu.core_type = #tpu.core_type<sc_vector_subcore>, window_params = [{transform_indices = #map}, {transform_indices = #map1}, {transform_indices = #map1}, {transform_indices = #map1}]} {
    %mul3A = arith.constant 16 : i32
    %mul3A_0 = arith.muli %arg0, %mul3A : i32
    %add3A = arith.addi %mul3A_0, %arg1 : i32
    "tpu.region"() ({
      %run_scoped3A_61 = tpu.sem_alloc : memref<!tpu.dma_semaphore, #tpu.memory_space<semaphore_mem>>
      %dma_start3A_62 = arith.constant 0 : i32
      %dma_start3A_63 = arith.constant 0 : i32
      %dma_start3A_64 = tpu.memref_slice %arg3[%add3A, %dma_start3A_62, %dma_start3A_63] : memref<32x125x80xi32, #tpu.memory_space<hbm>> -> memref<1x125x80xi32, #tpu.memory_space<hbm>>
      %dma_start3A_65 = tpu.memref_squeeze %dma_start3A_64 : memref<1x125x80xi32, #tpu.memory_space<hbm>> -> memref<125x80xi32, #tpu.memory_space<hbm>>
      %dma_start3A_66 = arith.constant 0 : i32
      %dma_start3A_67 = arith.constant 0 : i32
      %dma_start3A_68 = tpu.memref_slice %arg3[%add3A, %dma_start3A_66, %dma_start3A_67] : memref<32x125x80xi32, #tpu.memory_space<hbm>> -> memref<1x125x80xi32, #tpu.memory_space<hbm>>
      %dma_start3A_69 = tpu.memref_squeeze %dma_start3A_68 : memref<1x125x80xi32, #tpu.memory_space<hbm>> -> memref<125x80xi32, #tpu.memory_space<hbm>>
      tpu.enqueue_dma source(%dma_start3A_69 : memref<125x80xi32, #tpu.memory_space<hbm>>) target(%arg6 : memref<125x80xi32, #tpu.memory_space<vmem>>) target_semaphore(%run_scoped3A_61 : memref<!tpu.dma_semaphore, #tpu.memory_space<semaphore_mem>>)
      %dma_wait3A_70 = arith.constant 0 : i32
      %dma_wait3A_71 = arith.constant 0 : i32
      %dma_wait3A_72 = tpu.memref_slice %arg3[%add3A, %dma_wait3A_70, %dma_wait3A_71] : memref<32x125x80xi32, #tpu.memory_space<hbm>> -> memref<1x125x80xi32, #tpu.memory_space<hbm>>
      %dma_wait3A_73 = tpu.memref_squeeze %dma_wait3A_72 : memref<1x125x80xi32, #tpu.memory_space<hbm>> -> memref<125x80xi32, #tpu.memory_space<hbm>>
      %dma_wait3A_74 = arith.constant 0 : i32
      %dma_wait3A_75 = arith.constant 0 : i32
      %dma_wait3A_76 = tpu.memref_slice %arg3[%add3A, %dma_wait3A_74, %dma_wait3A_75] : memref<32x125x80xi32, #tpu.memory_space<hbm>> -> memref<1x125x80xi32, #tpu.memory_space<hbm>>
      %dma_wait3A_77 = tpu.memref_squeeze %dma_wait3A_76 : memref<1x125x80xi32, #tpu.memory_space<hbm>> -> memref<125x80xi32, #tpu.memory_space<hbm>>
      tpu.wait_dma2 semaphore(%run_scoped3A_61 : memref<!tpu.dma_semaphore, #tpu.memory_space<semaphore_mem>>) src(%dma_wait3A_77 : memref<125x80xi32, #tpu.memory_space<hbm>>) dst(%arg6 : memref<125x80xi32, #tpu.memory_space<vmem>>)
      tpu.yield
    }) : () -> ()
    "tpu.region"() ({
      %run_scoped3A_61 = tpu.sem_alloc : memref<!tpu.dma_semaphore, #tpu.memory_space<semaphore_mem>>
      %dma_start3A_62 = arith.constant 0 : i32
      %dma_start3A_63 = arith.constant 0 : i32
      %dma_start3A_64 = tpu.memref_slice %arg4[%add3A, %dma_start3A_62, %dma_start3A_63] : memref<32x125x80xi32, #tpu.memory_space<hbm>> -> memref<1x125x80xi32, #tpu.memory_space<hbm>>
      %dma_start3A_65 = tpu.memref_squeeze %dma_start3A_64 : memref<1x125x80xi32, #tpu.memory_space<hbm>> -> memref<125x80xi32, #tpu.memory_space<hbm>>
      %dma_start3A_66 = arith.constant 0 : i32
      %dma_start3A_67 = arith.constant 0 : i32
      %dma_start3A_68 = tpu.memref_slice %arg4[%add3A, %dma_start3A_66, %dma_start3A_67] : memref<32x125x80xi32, #tpu.memory_space<hbm>> -> memref<1x125x80xi32, #tpu.memory_space<hbm>>
      %dma_start3A_69 = tpu.memref_squeeze %dma_start3A_68 : memref<1x125x80xi32, #tpu.memory_space<hbm>> -> memref<125x80xi32, #tpu.memory_space<hbm>>
      tpu.enqueue_dma source(%dma_start3A_69 : memref<125x80xi32, #tpu.memory_space<hbm>>) target(%arg7 : memref<125x80xi32, #tpu.memory_space<vmem>>) target_semaphore(%run_scoped3A_61 : memref<!tpu.dma_semaphore, #tpu.memory_space<semaphore_mem>>)
      %dma_wait3A_70 = arith.constant 0 : i32
      %dma_wait3A_71 = arith.constant 0 : i32
      %dma_wait3A_72 = tpu.memref_slice %arg4[%add3A, %dma_wait3A_70, %dma_wait3A_71] : memref<32x125x80xi32, #tpu.memory_space<hbm>> -> memref<1x125x80xi32, #tpu.memory_space<hbm>>
      %dma_wait3A_73 = tpu.memref_squeeze %dma_wait3A_72 : memref<1x125x80xi32, #tpu.memory_space<hbm>> -> memref<125x80xi32, #tpu.memory_space<hbm>>
      %dma_wait3A_74 = arith.constant 0 : i32
      %dma_wait3A_75 = arith.constant 0 : i32
      %dma_wait3A_76 = tpu.memref_slice %arg4[%add3A, %dma_wait3A_74, %dma_wait3A_75] : memref<32x125x80xi32, #tpu.memory_space<hbm>> -> memref<1x125x80xi32, #tpu.memory_space<hbm>>
      %dma_wait3A_77 = tpu.memref_squeeze %dma_wait3A_76 : memref<1x125x80xi32, #tpu.memory_space<hbm>> -> memref<125x80xi32, #tpu.memory_space<hbm>>
      tpu.wait_dma2 semaphore(%run_scoped3A_61 : memref<!tpu.dma_semaphore, #tpu.memory_space<semaphore_mem>>) src(%dma_wait3A_77 : memref<125x80xi32, #tpu.memory_space<hbm>>) dst(%arg7 : memref<125x80xi32, #tpu.memory_space<vmem>>)
      tpu.yield
    }) : () -> ()
    %broadcast_in_dim3A = arith.constant 0.000000e+00 : f32
    %broadcast_in_dim3A_1 = vector.broadcast %broadcast_in_dim3A : f32 to vector<16xf32>
    %scan3A = arith.constant 0 : i32
    %scan3A_2 = arith.constant 0 : i32
    %scan3A_3 = arith.constant 80 : i32
    %scan3A_4 = arith.addi %scan3A_2, %scan3A_3 : i32
    %scan3A_5 = arith.constant 1 : i32
    scf.for %scan3A_61 = %scan3A_2 to %scan3A_4 step %scan3A_5  : i32 {
      %scan3A_62 = arith.constant 0 : i32
      %scan3A_63 = arith.constant 8 : i32
      %scan3A_64 = arith.addi %scan3A_62, %scan3A_63 : i32
      %scan3A_65 = arith.constant 1 : i32
      scf.for %scan3A_67 = %scan3A_62 to %scan3A_64 step %scan3A_65  : i32 {
        %mul3A_68 = arith.constant 16 : i32
        %mul3A_69 = arith.muli %scan3A_67, %mul3A_68 : i32
        %swap3A = arith.index_cast %scan3A_61 : i32 to index
        %swap3A_70 = arith.index_cast %mul3A_69 : i32 to index
        %swap3A_71 = tpu.vector_load %arg8[%swap3A, %swap3A_70] {strides = array<i32>} : memref<80x128xf32, #tpu.memory_space<vmem>>, vector<16xf32>,
        tpu.vector_store %arg8[%swap3A, %swap3A_70], %broadcast_in_dim3A_1 {strides = array<i32>} : memref<80x128xf32, #tpu.memory_space<vmem>>, vector<16xf32>,
      }
      %scan3A_66 = arith.constant 8 : i32
    }
    %scan3A_6 = arith.constant 80 : i32
    %mul3A_7 = arith.constant 640 : i32
    %mul3A_8 = arith.muli %arg1, %mul3A_7 : i32
    %multiple_of3A = tpu.assume_multiple %mul3A_8, 8 : i32
    %scan3A_9 = arith.constant 0 : i32
    %scan3A_10 = arith.constant 0 : i32
    %scan3A_11 = arith.constant 8 : i32
    %scan3A_12 = arith.addi %scan3A_10, %scan3A_11 : i32
    %scan3A_13 = arith.constant 1 : i32
    scf.for %scan3A_61 = %scan3A_10 to %scan3A_12 step %scan3A_13  : i32 {
      %mul3A_62 = arith.constant 80 : i32
      %mul3A_63 = arith.muli %scan3A_61, %mul3A_62 : i32
      %add3A_64 = arith.addi %multiple_of3A, %mul3A_63 : i32
      %multiple_of3A_65 = tpu.assume_multiple %add3A_64, 8 : i32
      "tpu.region"() ({
        %run_scoped3A_66 = tpu.sem_alloc : memref<!tpu.dma_semaphore, #tpu.memory_space<semaphore_mem>>
        %dma_start3A_67 = arith.constant 0 : i32
        %dma_start3A_68 = tpu.memref_slice %arg10[%multiple_of3A_65, %dma_start3A_67] : memref<10240x128xf32, #tpu.memory_space<vmem_shared>> -> memref<80x128xf32, #tpu.memory_space<vmem_shared>>
        %dma_start3A_69 = arith.constant 0 : i32
        %dma_start3A_70 = tpu.memref_slice %arg10[%multiple_of3A_65, %dma_start3A_69] : memref<10240x128xf32, #tpu.memory_space<vmem_shared>> -> memref<80x128xf32, #tpu.memory_space<vmem_shared>>
        tpu.enqueue_dma source(%arg8 : memref<80x128xf32, #tpu.memory_space<vmem>>) target(%dma_start3A_70 : memref<80x128xf32, #tpu.memory_space<vmem_shared>>) target_semaphore(%run_scoped3A_66 : memref<!tpu.dma_semaphore, #tpu.memory_space<semaphore_mem>>)
        %dma_wait3A_71 = arith.constant 0 : i32
        %dma_wait3A_72 = tpu.memref_slice %arg10[%multiple_of3A_65, %dma_wait3A_71] : memref<10240x128xf32, #tpu.memory_space<vmem_shared>> -> memref<80x128xf32, #tpu.memory_space<vmem_shared>>
        %dma_wait3A_73 = arith.constant 0 : i32
        %dma_wait3A_74 = tpu.memref_slice %arg10[%multiple_of3A_65, %dma_wait3A_73] : memref<10240x128xf32, #tpu.memory_space<vmem_shared>> -> memref<80x128xf32, #tpu.memory_space<vmem_shared>>
        tpu.wait_dma2 semaphore(%run_scoped3A_66 : memref<!tpu.dma_semaphore, #tpu.memory_space<semaphore_mem>>) src(%arg8 : memref<80x128xf32, #tpu.memory_space<vmem>>) dst(%dma_wait3A_74 : memref<80x128xf32, #tpu.memory_space<vmem_shared>>)
        tpu.yield
      }) : () -> ()
    }
    %scan3A_14 = arith.constant 8 : i32
    %barrier3A = arith.constant 0 : index
    tpu.barrier barrier_id(%barrier3A)
    %dma_start3A = arith.constant 0 : i32
    %dma_start3A_15 = arith.constant 0 : i32
    %dma_start3A_16 = tpu.memref_slice %arg6[%dma_start3A, %dma_start3A_15] : memref<125x80xi32, #tpu.memory_space<vmem>> -> memref<1x80xi32, #tpu.memory_space<vmem>>
    %dma_start3A_17 = tpu.memref_squeeze %dma_start3A_16 : memref<1x80xi32, #tpu.memory_space<vmem>> -> memref<80xi32, #tpu.memory_space<vmem>>
    %dma_start3A_18 = arith.constant 0 : i32
    %dma_start3A_19 = arith.constant 0 : i32
    %dma_start3A_20 = tpu.memref_slice %arg2[%dma_start3A_18, %dma_start3A_19] : memref<10000x128xf32, #tpu.memory_space<hbm>> -> memref<10000x128xf32, #tpu.memory_space<hbm>>
    tpu.enqueue_indirect_dma source(%dma_start3A_20 : memref<10000x128xf32, #tpu.memory_space<hbm>>) target(%arg8 : memref<80x128xf32, #tpu.memory_space<vmem>>) offsets(%dma_start3A_17 : memref<80xi32, #tpu.memory_space<vmem>>) semaphore(%arg11 : memref<!tpu.dma_semaphore, #tpu.memory_space<semaphore_mem>>)
    %dma_start3A_21 = arith.constant 1 : i32
    %dma_start3A_22 = arith.constant 0 : i32
    %dma_start3A_23 = tpu.memref_slice %arg6[%dma_start3A_21, %dma_start3A_22] : memref<125x80xi32, #tpu.memory_space<vmem>> -> memref<1x80xi32, #tpu.memory_space<vmem>>
    %dma_start3A_24 = tpu.memref_squeeze %dma_start3A_23 : memref<1x80xi32, #tpu.memory_space<vmem>> -> memref<80xi32, #tpu.memory_space<vmem>>
    %dma_start3A_25 = arith.constant 0 : i32
    %dma_start3A_26 = arith.constant 0 : i32
    %dma_start3A_27 = tpu.memref_slice %arg2[%dma_start3A_25, %dma_start3A_26] : memref<10000x128xf32, #tpu.memory_space<hbm>> -> memref<10000x128xf32, #tpu.memory_space<hbm>>
    tpu.enqueue_indirect_dma source(%dma_start3A_27 : memref<10000x128xf32, #tpu.memory_space<hbm>>) target(%arg9 : memref<80x128xf32, #tpu.memory_space<vmem>>) offsets(%dma_start3A_24 : memref<80xi32, #tpu.memory_space<vmem>>) semaphore(%arg12 : memref<!tpu.dma_semaphore, #tpu.memory_space<semaphore_mem>>)
    %scan3A_28 = arith.constant 0 : i32
    %scan3A_29 = arith.constant 0 : i32
    %scan3A_30 = arith.constant 61 : i32
    %scan3A_31 = arith.addi %scan3A_29, %scan3A_30 : i32
    %scan3A_32 = arith.constant 1 : i32
    scf.for %scan3A_61 = %scan3A_29 to %scan3A_31 step %scan3A_32  : i32 {
      %mul3A_62 = arith.constant 2 : i32
      %mul3A_63 = arith.muli %scan3A_61, %mul3A_62 : i32
      %dma_wait3A_64 = arith.constant 0 : i32
      %dma_wait3A_65 = arith.constant 0 : i32
      %dma_wait3A_66 = tpu.memref_slice %arg2[%dma_wait3A_64, %dma_wait3A_65] : memref<10000x128xf32, #tpu.memory_space<hbm>> -> memref<80x128xf32, #tpu.memory_space<hbm>>
      %dma_wait3A_67 = arith.constant 0 : i32
      %dma_wait3A_68 = arith.constant 0 : i32
      %dma_wait3A_69 = tpu.memref_slice %arg2[%dma_wait3A_67, %dma_wait3A_68] : memref<10000x128xf32, #tpu.memory_space<hbm>> -> memref<80x128xf32, #tpu.memory_space<hbm>>
      tpu.wait_dma2 semaphore(%arg11 : memref<!tpu.dma_semaphore, #tpu.memory_space<semaphore_mem>>) src(%dma_wait3A_69 : memref<80x128xf32, #tpu.memory_space<hbm>>) dst(%arg8 : memref<80x128xf32, #tpu.memory_space<vmem>>)
      "tpu.region"() ({
        %run_scoped3A_94 = tpu.sem_alloc : memref<!tpu.dma_semaphore, #tpu.memory_space<semaphore_mem>>
        %dma_start3A_95 = arith.constant 0 : i32
        %dma_start3A_96 = tpu.memref_slice %arg7[%mul3A_63, %dma_start3A_95] : memref<125x80xi32, #tpu.memory_space<vmem>> -> memref<1x80xi32, #tpu.memory_space<vmem>>
        %dma_start3A_97 = tpu.memref_squeeze %dma_start3A_96 : memref<1x80xi32, #tpu.memory_space<vmem>> -> memref<80xi32, #tpu.memory_space<vmem>>
        %dma_start3A_98 = arith.constant 0 : i32
        %dma_start3A_99 = arith.constant 0 : i32
        %dma_start3A_100 = tpu.memref_slice %arg10[%dma_start3A_98, %dma_start3A_99] : memref<10240x128xf32, #tpu.memory_space<vmem_shared>> -> memref<10240x128xf32, #tpu.memory_space<vmem_shared>>
        tpu.enqueue_indirect_dma source(%arg8 : memref<80x128xf32, #tpu.memory_space<vmem>>) target(%dma_start3A_100 : memref<10240x128xf32, #tpu.memory_space<vmem_shared>>) offsets(%dma_start3A_97 : memref<80xi32, #tpu.memory_space<vmem>>) semaphore(%run_scoped3A_94 : memref<!tpu.dma_semaphore, #tpu.memory_space<semaphore_mem>>) {add = true}
        %dma_wait3A_101 = arith.constant 0 : i32
        %dma_wait3A_102 = tpu.memref_slice %arg7[%mul3A_63, %dma_wait3A_101] : memref<125x80xi32, #tpu.memory_space<vmem>> -> memref<1x80xi32, #tpu.memory_space<vmem>>
        %dma_wait3A_103 = tpu.memref_squeeze %dma_wait3A_102 : memref<1x80xi32, #tpu.memory_space<vmem>> -> memref<80xi32, #tpu.memory_space<vmem>>
        %dma_wait3A_104 = arith.constant 0 : i32
        %dma_wait3A_105 = arith.constant 0 : i32
        %dma_wait3A_106 = tpu.memref_slice %arg10[%dma_wait3A_104, %dma_wait3A_105] : memref<10240x128xf32, #tpu.memory_space<vmem_shared>> -> memref<10240x128xf32, #tpu.memory_space<vmem_shared>>
        tpu.wait_indirect_dma semaphore(%run_scoped3A_94 : memref<!tpu.dma_semaphore, #tpu.memory_space<semaphore_mem>>) src(%arg8 : memref<80x128xf32, #tpu.memory_space<vmem>>) dst(%dma_wait3A_106 : memref<10240x128xf32, #tpu.memory_space<vmem_shared>>)
        tpu.yield
      }) : () -> ()
      %add3A_70 = arith.constant 2 : i32
      %add3A_71 = arith.addi %mul3A_63, %add3A_70 : i32
      %dma_start3A_72 = arith.constant 0 : i32
      %dma_start3A_73 = tpu.memref_slice %arg6[%add3A_71, %dma_start3A_72] : memref<125x80xi32, #tpu.memory_space<vmem>> -> memref<1x80xi32, #tpu.memory_space<vmem>>
      %dma_start3A_74 = tpu.memref_squeeze %dma_start3A_73 : memref<1x80xi32, #tpu.memory_space<vmem>> -> memref<80xi32, #tpu.memory_space<vmem>>
      %dma_start3A_75 = arith.constant 0 : i32
      %dma_start3A_76 = arith.constant 0 : i32
      %dma_start3A_77 = tpu.memref_slice %arg2[%dma_start3A_75, %dma_start3A_76] : memref<10000x128xf32, #tpu.memory_space<hbm>> -> memref<10000x128xf32, #tpu.memory_space<hbm>>
      tpu.enqueue_indirect_dma source(%dma_start3A_77 : memref<10000x128xf32, #tpu.memory_space<hbm>>) target(%arg8 : memref<80x128xf32, #tpu.memory_space<vmem>>) offsets(%dma_start3A_74 : memref<80xi32, #tpu.memory_space<vmem>>) semaphore(%arg11 : memref<!tpu.dma_semaphore, #tpu.memory_space<semaphore_mem>>)
      %dma_wait3A_78 = arith.constant 0 : i32
      %dma_wait3A_79 = arith.constant 0 : i32
      %dma_wait3A_80 = tpu.memref_slice %arg2[%dma_wait3A_78, %dma_wait3A_79] : memref<10000x128xf32, #tpu.memory_space<hbm>> -> memref<80x128xf32, #tpu.memory_space<hbm>>
      %dma_wait3A_81 = arith.constant 0 : i32
      %dma_wait3A_82 = arith.constant 0 : i32
      %dma_wait3A_83 = tpu.memref_slice %arg2[%dma_wait3A_81, %dma_wait3A_82] : memref<10000x128xf32, #tpu.memory_space<hbm>> -> memref<80x128xf32, #tpu.memory_space<hbm>>
      tpu.wait_dma2 semaphore(%arg12 : memref<!tpu.dma_semaphore, #tpu.memory_space<semaphore_mem>>) src(%dma_wait3A_83 : memref<80x128xf32, #tpu.memory_space<hbm>>) dst(%arg9 : memref<80x128xf32, #tpu.memory_space<vmem>>)
      %add3A_84 = arith.constant 1 : i32
      %add3A_85 = arith.addi %mul3A_63, %add3A_84 : i32
      "tpu.region"() ({
        %run_scoped3A_94 = tpu.sem_alloc : memref<!tpu.dma_semaphore, #tpu.memory_space<semaphore_mem>>
        %dma_start3A_95 = arith.constant 0 : i32
        %dma_start3A_96 = tpu.memref_slice %arg7[%add3A_85, %dma_start3A_95] : memref<125x80xi32, #tpu.memory_space<vmem>> -> memref<1x80xi32, #tpu.memory_space<vmem>>
        %dma_start3A_97 = tpu.memref_squeeze %dma_start3A_96 : memref<1x80xi32, #tpu.memory_space<vmem>> -> memref<80xi32, #tpu.memory_space<vmem>>
        %dma_start3A_98 = arith.constant 0 : i32
        %dma_start3A_99 = arith.constant 0 : i32
        %dma_start3A_100 = tpu.memref_slice %arg10[%dma_start3A_98, %dma_start3A_99] : memref<10240x128xf32, #tpu.memory_space<vmem_shared>> -> memref<10240x128xf32, #tpu.memory_space<vmem_shared>>
        tpu.enqueue_indirect_dma source(%arg9 : memref<80x128xf32, #tpu.memory_space<vmem>>) target(%dma_start3A_100 : memref<10240x128xf32, #tpu.memory_space<vmem_shared>>) offsets(%dma_start3A_97 : memref<80xi32, #tpu.memory_space<vmem>>) semaphore(%run_scoped3A_94 : memref<!tpu.dma_semaphore, #tpu.memory_space<semaphore_mem>>) {add = true}
        %dma_wait3A_101 = arith.constant 0 : i32
        %dma_wait3A_102 = tpu.memref_slice %arg7[%add3A_85, %dma_wait3A_101] : memref<125x80xi32, #tpu.memory_space<vmem>> -> memref<1x80xi32, #tpu.memory_space<vmem>>
        %dma_wait3A_103 = tpu.memref_squeeze %dma_wait3A_102 : memref<1x80xi32, #tpu.memory_space<vmem>> -> memref<80xi32, #tpu.memory_space<vmem>>
        %dma_wait3A_104 = arith.constant 0 : i32
        %dma_wait3A_105 = arith.constant 0 : i32
        %dma_wait3A_106 = tpu.memref_slice %arg10[%dma_wait3A_104, %dma_wait3A_105] : memref<10240x128xf32, #tpu.memory_space<vmem_shared>> -> memref<10240x128xf32, #tpu.memory_space<vmem_shared>>
        tpu.wait_indirect_dma semaphore(%run_scoped3A_94 : memref<!tpu.dma_semaphore, #tpu.memory_space<semaphore_mem>>) src(%arg9 : memref<80x128xf32, #tpu.memory_space<vmem>>) dst(%dma_wait3A_106 : memref<10240x128xf32, #tpu.memory_space<vmem_shared>>)
        tpu.yield
      }) : () -> ()
      %add3A_86 = arith.constant 3 : i32
      %add3A_87 = arith.addi %mul3A_63, %add3A_86 : i32
      %dma_start3A_88 = arith.constant 0 : i32
      %dma_start3A_89 = tpu.memref_slice %arg6[%add3A_87, %dma_start3A_88] : memref<125x80xi32, #tpu.memory_space<vmem>> -> memref<1x80xi32, #tpu.memory_space<vmem>>
      %dma_start3A_90 = tpu.memref_squeeze %dma_start3A_89 : memref<1x80xi32, #tpu.memory_space<vmem>> -> memref<80xi32, #tpu.memory_space<vmem>>
      %dma_start3A_91 = arith.constant 0 : i32
      %dma_start3A_92 = arith.constant 0 : i32
      %dma_start3A_93 = tpu.memref_slice %arg2[%dma_start3A_91, %dma_start3A_92] : memref<10000x128xf32, #tpu.memory_space<hbm>> -> memref<10000x128xf32, #tpu.memory_space<hbm>>
      tpu.enqueue_indirect_dma source(%dma_start3A_93 : memref<10000x128xf32, #tpu.memory_space<hbm>>) target(%arg9 : memref<80x128xf32, #tpu.memory_space<vmem>>) offsets(%dma_start3A_90 : memref<80xi32, #tpu.memory_space<vmem>>) semaphore(%arg12 : memref<!tpu.dma_semaphore, #tpu.memory_space<semaphore_mem>>)
    }
    %scan3A_33 = arith.constant 61 : i32
    %dma_wait3A = arith.constant 0 : i32
    %dma_wait3A_34 = arith.constant 0 : i32
    %dma_wait3A_35 = tpu.memref_slice %arg2[%dma_wait3A, %dma_wait3A_34] : memref<10000x128xf32, #tpu.memory_space<hbm>> -> memref<80x128xf32, #tpu.memory_space<hbm>>
    %dma_wait3A_36 = arith.constant 0 : i32
    %dma_wait3A_37 = arith.constant 0 : i32
    %dma_wait3A_38 = tpu.memref_slice %arg2[%dma_wait3A_36, %dma_wait3A_37] : memref<10000x128xf32, #tpu.memory_space<hbm>> -> memref<80x128xf32, #tpu.memory_space<hbm>>
    tpu.wait_dma2 semaphore(%arg11 : memref<!tpu.dma_semaphore, #tpu.memory_space<semaphore_mem>>) src(%dma_wait3A_38 : memref<80x128xf32, #tpu.memory_space<hbm>>) dst(%arg8 : memref<80x128xf32, #tpu.memory_space<vmem>>)
    %run_scoped3A = arith.constant 122 : i32
    "tpu.region"() ({
      %run_scoped3A_61 = tpu.sem_alloc : memref<!tpu.dma_semaphore, #tpu.memory_space<semaphore_mem>>
      %dma_start3A_62 = arith.constant 0 : i32
      %dma_start3A_63 = tpu.memref_slice %arg7[%run_scoped3A, %dma_start3A_62] : memref<125x80xi32, #tpu.memory_space<vmem>> -> memref<1x80xi32, #tpu.memory_space<vmem>>
      %dma_start3A_64 = tpu.memref_squeeze %dma_start3A_63 : memref<1x80xi32, #tpu.memory_space<vmem>> -> memref<80xi32, #tpu.memory_space<vmem>>
      %dma_start3A_65 = arith.constant 0 : i32
      %dma_start3A_66 = arith.constant 0 : i32
      %dma_start3A_67 = tpu.memref_slice %arg10[%dma_start3A_65, %dma_start3A_66] : memref<10240x128xf32, #tpu.memory_space<vmem_shared>> -> memref<10240x128xf32, #tpu.memory_space<vmem_shared>>
      tpu.enqueue_indirect_dma source(%arg8 : memref<80x128xf32, #tpu.memory_space<vmem>>) target(%dma_start3A_67 : memref<10240x128xf32, #tpu.memory_space<vmem_shared>>) offsets(%dma_start3A_64 : memref<80xi32, #tpu.memory_space<vmem>>) semaphore(%run_scoped3A_61 : memref<!tpu.dma_semaphore, #tpu.memory_space<semaphore_mem>>) {add = true}
      %dma_wait3A_68 = arith.constant 0 : i32
      %dma_wait3A_69 = tpu.memref_slice %arg7[%run_scoped3A, %dma_wait3A_68] : memref<125x80xi32, #tpu.memory_space<vmem>> -> memref<1x80xi32, #tpu.memory_space<vmem>>
      %dma_wait3A_70 = tpu.memref_squeeze %dma_wait3A_69 : memref<1x80xi32, #tpu.memory_space<vmem>> -> memref<80xi32, #tpu.memory_space<vmem>>
      %dma_wait3A_71 = arith.constant 0 : i32
      %dma_wait3A_72 = arith.constant 0 : i32
      %dma_wait3A_73 = tpu.memref_slice %arg10[%dma_wait3A_71, %dma_wait3A_72] : memref<10240x128xf32, #tpu.memory_space<vmem_shared>> -> memref<10240x128xf32, #tpu.memory_space<vmem_shared>>
      tpu.wait_indirect_dma semaphore(%run_scoped3A_61 : memref<!tpu.dma_semaphore, #tpu.memory_space<semaphore_mem>>) src(%arg8 : memref<80x128xf32, #tpu.memory_space<vmem>>) dst(%dma_wait3A_73 : memref<10240x128xf32, #tpu.memory_space<vmem_shared>>)
      tpu.yield
    }) : () -> ()
    %dma_start3A_39 = arith.constant 124 : i32
    %dma_start3A_40 = arith.constant 0 : i32
    %dma_start3A_41 = tpu.memref_slice %arg6[%dma_start3A_39, %dma_start3A_40] : memref<125x80xi32, #tpu.memory_space<vmem>> -> memref<1x80xi32, #tpu.memory_space<vmem>>
    %dma_start3A_42 = tpu.memref_squeeze %dma_start3A_41 : memref<1x80xi32, #tpu.memory_space<vmem>> -> memref<80xi32, #tpu.memory_space<vmem>>
    %dma_start3A_43 = arith.constant 0 : i32
    %dma_start3A_44 = arith.constant 0 : i32
    %dma_start3A_45 = tpu.memref_slice %arg2[%dma_start3A_43, %dma_start3A_44] : memref<10000x128xf32, #tpu.memory_space<hbm>> -> memref<10000x128xf32, #tpu.memory_space<hbm>>
    tpu.enqueue_indirect_dma source(%dma_start3A_45 : memref<10000x128xf32, #tpu.memory_space<hbm>>) target(%arg8 : memref<80x128xf32, #tpu.memory_space<vmem>>) offsets(%dma_start3A_42 : memref<80xi32, #tpu.memory_space<vmem>>) semaphore(%arg11 : memref<!tpu.dma_semaphore, #tpu.memory_space<semaphore_mem>>)
    %dma_wait3A_46 = arith.constant 0 : i32
    %dma_wait3A_47 = arith.constant 0 : i32
    %dma_wait3A_48 = tpu.memref_slice %arg2[%dma_wait3A_46, %dma_wait3A_47] : memref<10000x128xf32, #tpu.memory_space<hbm>> -> memref<80x128xf32, #tpu.memory_space<hbm>>
    %dma_wait3A_49 = arith.constant 0 : i32
    %dma_wait3A_50 = arith.constant 0 : i32
    %dma_wait3A_51 = tpu.memref_slice %arg2[%dma_wait3A_49, %dma_wait3A_50] : memref<10000x128xf32, #tpu.memory_space<hbm>> -> memref<80x128xf32, #tpu.memory_space<hbm>>
    tpu.wait_dma2 semaphore(%arg12 : memref<!tpu.dma_semaphore, #tpu.memory_space<semaphore_mem>>) src(%dma_wait3A_51 : memref<80x128xf32, #tpu.memory_space<hbm>>) dst(%arg9 : memref<80x128xf32, #tpu.memory_space<vmem>>)
    %run_scoped3A_52 = arith.constant 123 : i32
    "tpu.region"() ({
      %run_scoped3A_61 = tpu.sem_alloc : memref<!tpu.dma_semaphore, #tpu.memory_space<semaphore_mem>>
      %dma_start3A_62 = arith.constant 0 : i32
      %dma_start3A_63 = tpu.memref_slice %arg7[%run_scoped3A_52, %dma_start3A_62] : memref<125x80xi32, #tpu.memory_space<vmem>> -> memref<1x80xi32, #tpu.memory_space<vmem>>
      %dma_start3A_64 = tpu.memref_squeeze %dma_start3A_63 : memref<1x80xi32, #tpu.memory_space<vmem>> -> memref<80xi32, #tpu.memory_space<vmem>>
      %dma_start3A_65 = arith.constant 0 : i32
      %dma_start3A_66 = arith.constant 0 : i32
      %dma_start3A_67 = tpu.memref_slice %arg10[%dma_start3A_65, %dma_start3A_66] : memref<10240x128xf32, #tpu.memory_space<vmem_shared>> -> memref<10240x128xf32, #tpu.memory_space<vmem_shared>>
      tpu.enqueue_indirect_dma source(%arg9 : memref<80x128xf32, #tpu.memory_space<vmem>>) target(%dma_start3A_67 : memref<10240x128xf32, #tpu.memory_space<vmem_shared>>) offsets(%dma_start3A_64 : memref<80xi32, #tpu.memory_space<vmem>>) semaphore(%run_scoped3A_61 : memref<!tpu.dma_semaphore, #tpu.memory_space<semaphore_mem>>) {add = true}
      %dma_wait3A_68 = arith.constant 0 : i32
      %dma_wait3A_69 = tpu.memref_slice %arg7[%run_scoped3A_52, %dma_wait3A_68] : memref<125x80xi32, #tpu.memory_space<vmem>> -> memref<1x80xi32, #tpu.memory_space<vmem>>
      %dma_wait3A_70 = tpu.memref_squeeze %dma_wait3A_69 : memref<1x80xi32, #tpu.memory_space<vmem>> -> memref<80xi32, #tpu.memory_space<vmem>>
      %dma_wait3A_71 = arith.constant 0 : i32
      %dma_wait3A_72 = arith.constant 0 : i32
      %dma_wait3A_73 = tpu.memref_slice %arg10[%dma_wait3A_71, %dma_wait3A_72] : memref<10240x128xf32, #tpu.memory_space<vmem_shared>> -> memref<10240x128xf32, #tpu.memory_space<vmem_shared>>
      tpu.wait_indirect_dma semaphore(%run_scoped3A_61 : memref<!tpu.dma_semaphore, #tpu.memory_space<semaphore_mem>>) src(%arg9 : memref<80x128xf32, #tpu.memory_space<vmem>>) dst(%dma_wait3A_73 : memref<10240x128xf32, #tpu.memory_space<vmem_shared>>)
      tpu.yield
    }) : () -> ()
    %dma_wait3A_53 = arith.constant 0 : i32
    %dma_wait3A_54 = arith.constant 0 : i32
    %dma_wait3A_55 = tpu.memref_slice %arg2[%dma_wait3A_53, %dma_wait3A_54] : memref<10000x128xf32, #tpu.memory_space<hbm>> -> memref<80x128xf32, #tpu.memory_space<hbm>>
    %dma_wait3A_56 = arith.constant 0 : i32
    %dma_wait3A_57 = arith.constant 0 : i32
    %dma_wait3A_58 = tpu.memref_slice %arg2[%dma_wait3A_56, %dma_wait3A_57] : memref<10000x128xf32, #tpu.memory_space<hbm>> -> memref<80x128xf32, #tpu.memory_space<hbm>>
    tpu.wait_dma2 semaphore(%arg11 : memref<!tpu.dma_semaphore, #tpu.memory_space<semaphore_mem>>) src(%dma_wait3A_58 : memref<80x128xf32, #tpu.memory_space<hbm>>) dst(%arg8 : memref<80x128xf32, #tpu.memory_space<vmem>>)
    %run_scoped3A_59 = arith.constant 124 : i32
    "tpu.region"() ({
      %run_scoped3A_61 = tpu.sem_alloc : memref<!tpu.dma_semaphore, #tpu.memory_space<semaphore_mem>>
      %dma_start3A_62 = arith.constant 0 : i32
      %dma_start3A_63 = tpu.memref_slice %arg7[%run_scoped3A_59, %dma_start3A_62] : memref<125x80xi32, #tpu.memory_space<vmem>> -> memref<1x80xi32, #tpu.memory_space<vmem>>
      %dma_start3A_64 = tpu.memref_squeeze %dma_start3A_63 : memref<1x80xi32, #tpu.memory_space<vmem>> -> memref<80xi32, #tpu.memory_space<vmem>>
      %dma_start3A_65 = arith.constant 0 : i32
      %dma_start3A_66 = arith.constant 0 : i32
      %dma_start3A_67 = tpu.memref_slice %arg10[%dma_start3A_65, %dma_start3A_66] : memref<10240x128xf32, #tpu.memory_space<vmem_shared>> -> memref<10240x128xf32, #tpu.memory_space<vmem_shared>>
      tpu.enqueue_indirect_dma source(%arg8 : memref<80x128xf32, #tpu.memory_space<vmem>>) target(%dma_start3A_67 : memref<10240x128xf32, #tpu.memory_space<vmem_shared>>) offsets(%dma_start3A_64 : memref<80xi32, #tpu.memory_space<vmem>>) semaphore(%run_scoped3A_61 : memref<!tpu.dma_semaphore, #tpu.memory_space<semaphore_mem>>) {add = true}
      %dma_wait3A_68 = arith.constant 0 : i32
      %dma_wait3A_69 = tpu.memref_slice %arg7[%run_scoped3A_59, %dma_wait3A_68] : memref<125x80xi32, #tpu.memory_space<vmem>> -> memref<1x80xi32, #tpu.memory_space<vmem>>
      %dma_wait3A_70 = tpu.memref_squeeze %dma_wait3A_69 : memref<1x80xi32, #tpu.memory_space<vmem>> -> memref<80xi32, #tpu.memory_space<vmem>>
      %dma_wait3A_71 = arith.constant 0 : i32
      %dma_wait3A_72 = arith.constant 0 : i32
      %dma_wait3A_73 = tpu.memref_slice %arg10[%dma_wait3A_71, %dma_wait3A_72] : memref<10240x128xf32, #tpu.memory_space<vmem_shared>> -> memref<10240x128xf32, #tpu.memory_space<vmem_shared>>
      tpu.wait_indirect_dma semaphore(%run_scoped3A_61 : memref<!tpu.dma_semaphore, #tpu.memory_space<semaphore_mem>>) src(%arg8 : memref<80x128xf32, #tpu.memory_space<vmem>>) dst(%dma_wait3A_73 : memref<10240x128xf32, #tpu.memory_space<vmem_shared>>)
      tpu.yield
    }) : () -> ()
    %barrier3A_60 = arith.constant 0 : index
    tpu.barrier barrier_id(%barrier3A_60)
    "tpu.region"() ({
      %run_scoped3A_61 = tpu.sem_alloc : memref<!tpu.dma_semaphore, #tpu.memory_space<semaphore_mem>>
      %dma_start3A_62 = arith.constant 0 : i32
      %dma_start3A_63 = tpu.memref_slice %arg5[%arg0, %multiple_of3A, %dma_start3A_62] : memref<2x10240x128xf32, #tpu.memory_space<hbm>> -> memref<1x640x128xf32, #tpu.memory_space<hbm>>
      %dma_start3A_64 = tpu.memref_squeeze %dma_start3A_63 : memref<1x640x128xf32, #tpu.memory_space<hbm>> -> memref<640x128xf32, #tpu.memory_space<hbm>>
      %dma_start3A_65 = arith.constant 0 : i32
      %dma_start3A_66 = tpu.memref_slice %arg10[%multiple_of3A, %dma_start3A_65] : memref<10240x128xf32, #tpu.memory_space<vmem_shared>> -> memref<640x128xf32, #tpu.memory_space<vmem_shared>>
      tpu.enqueue_dma source(%dma_start3A_66 : memref<640x128xf32, #tpu.memory_space<vmem_shared>>) target(%dma_start3A_64 : memref<640x128xf32, #tpu.memory_space<hbm>>) target_semaphore(%run_scoped3A_61 : memref<!tpu.dma_semaphore, #tpu.memory_space<semaphore_mem>>)
      %dma_wait3A_67 = arith.constant 0 : i32
      %dma_wait3A_68 = tpu.memref_slice %arg5[%arg0, %multiple_of3A, %dma_wait3A_67] : memref<2x10240x128xf32, #tpu.memory_space<hbm>> -> memref<1x640x128xf32, #tpu.memory_space<hbm>>
      %dma_wait3A_69 = tpu.memref_squeeze %dma_wait3A_68 : memref<1x640x128xf32, #tpu.memory_space<hbm>> -> memref<640x128xf32, #tpu.memory_space<hbm>>
      %dma_wait3A_70 = arith.constant 0 : i32
      %dma_wait3A_71 = tpu.memref_slice %arg10[%multiple_of3A, %dma_wait3A_70] : memref<10240x128xf32, #tpu.memory_space<vmem_shared>> -> memref<640x128xf32, #tpu.memory_space<vmem_shared>>
      tpu.wait_dma2 semaphore(%run_scoped3A_61 : memref<!tpu.dma_semaphore, #tpu.memory_space<semaphore_mem>>) src(%dma_wait3A_71 : memref<640x128xf32, #tpu.memory_space<vmem_shared>>) dst(%dma_wait3A_69 : memref<640x128xf32, #tpu.memory_space<hbm>>)
      tpu.yield
    }) : () -> ()
    return
  }
}

module attributes {stable_mosaic.version = 14 : i64} {
  func.func @_mid_body(%arg0: i32, %arg1: memref<2x2000x128xf32, #tpu.memory_space<vmem>>, %arg2: memref<2000x128xf32, #tpu.memory_space<vmem>>, %arg3: memref<2000x1xf32, #tpu.memory_space<vmem>>, %arg4: memref<1x128xf32, #tpu.memory_space<vmem>>, %arg5: memref<128x128xf32, #tpu.memory_space<vmem>>, %arg6: memref<2000x128xf32, #tpu.memory_space<vmem>>) attributes {dimension_semantics = [#tpu.dimension_semantics<arbitrary>], iteration_bounds = array<i64: 5>, scalar_prefetch = 0 : i64, scratch_operands = 0 : i64, tpu.core_type = #tpu.core_type<tc>, window_params = [{transform_indices = @transform_0, window_bounds = array<i64: 2, 2000, 128>}, {transform_indices = @transform_1, window_bounds = array<i64: 2000, 128>}, {transform_indices = @transform_2, window_bounds = array<i64: 2000, 1>}, {pipeline_mode = #tpu.pipeline_mode<synchronous>, transform_indices = @transform_3, window_bounds = array<i64: 1, 128>}, {pipeline_mode = #tpu.pipeline_mode<synchronous>, transform_indices = @transform_4, window_bounds = array<i64: 128, 128>}, {transform_indices = @transform_5, window_bounds = array<i64: 2000, 128>}]} {
    %get3A = arith.constant 0 : index
    %get3A_0 = arith.constant 0 : index
    %get3A_1 = arith.constant 0 : index
    %get3A_2 = vector.load %arg1[%get3A, %get3A_0, %get3A_1] : memref<2x2000x128xf32, #tpu.memory_space<vmem>>, vector<1x2000x128xf32>
    %get3A_3 = vector.shape_cast %get3A_2 : vector<1x2000x128xf32> to vector<2000x128xf32>
    %get3A_4 = arith.constant 1 : index
    %get3A_5 = arith.constant 0 : index
    %get3A_6 = arith.constant 0 : index
    %get3A_7 = vector.load %arg1[%get3A_4, %get3A_5, %get3A_6] : memref<2x2000x128xf32, #tpu.memory_space<vmem>>, vector<1x2000x128xf32>
    %get3A_8 = vector.shape_cast %get3A_7 : vector<1x2000x128xf32> to vector<2000x128xf32>
    %add3A = arith.addf %get3A_3, %get3A_8 : vector<2000x128xf32>
    %get3A_9 = arith.constant 0 : index
    %get3A_10 = arith.constant 0 : index
    %get3A_11 = vector.load %arg2[%get3A_9, %get3A_10] : memref<2000x128xf32, #tpu.memory_space<vmem>>, vector<2000x128xf32>
    %add3A_12 = arith.addf %add3A, %get3A_11 : vector<2000x128xf32>
    %get3A_13 = arith.constant 0 : index
    %get3A_14 = arith.constant 0 : index
    %get3A_15 = vector.load %arg3[%get3A_13, %get3A_14] : memref<2000x1xf32, #tpu.memory_space<vmem>>, vector<2000x1xf32>
    %mul3A = vector.broadcast %get3A_15 : vector<2000x1xf32> to vector<2000x128xf32>
    %mul3A_16 = arith.mulf %add3A_12, %mul3A : vector<2000x128xf32>
    %get3A_17 = arith.constant 0 : index
    %get3A_18 = arith.constant 0 : index
    %get3A_19 = vector.load %arg4[%get3A_17, %get3A_18] : memref<1x128xf32, #tpu.memory_space<vmem>>, vector<1x128xf32>
    %add3A_20 = vector.broadcast %get3A_19 : vector<1x128xf32> to vector<2000x128xf32>
    %add3A_21 = arith.addf %mul3A_16, %add3A_20 : vector<2000x128xf32>
    %max3A = arith.constant 0.000000e+00 : f32
    %max3A_22 = vector.broadcast %max3A : f32 to vector<2000x128xf32>
    %max3A_23 = arith.maximumf %add3A_21, %max3A_22 : vector<2000x128xf32>
    %get3A_24 = arith.constant 0 : index
    %get3A_25 = arith.constant 0 : index
    %get3A_26 = vector.load %arg5[%get3A_24, %get3A_25] : memref<128x128xf32, #tpu.memory_space<vmem>>, vector<128x128xf32>
    %dot_general3A = arith.constant dense<0.000000e+00> : vector<2000x128xf32>
    %dot_general3A_27 = tpu.matmul %max3A_23, %get3A_26, %dot_general3A {dimension_numbers = #tpu.dot_dimension_numbers<[1], [0], [0], [1], [0, 0, 1, 1], [], []>, transpose_lhs_hint = false} : vector<2000x128xf32>, vector<128x128xf32>, vector<2000x128xf32> -> vector<2000x128xf32>
    %get3A_28 = arith.constant 0 : index
    %get3A_29 = arith.constant 0 : index
    %get3A_30 = vector.load %arg3[%get3A_28, %get3A_29] : memref<2000x1xf32, #tpu.memory_space<vmem>>, vector<2000x1xf32>
    %mul3A_31 = vector.broadcast %get3A_30 : vector<2000x1xf32> to vector<2000x128xf32>
    %mul3A_32 = arith.mulf %dot_general3A_27, %mul3A_31 : vector<2000x128xf32>
    %swap3A = arith.constant 0 : index
    %swap3A_33 = arith.constant 0 : index
    %swap3A_34 = vector.load %arg6[%swap3A, %swap3A_33] : memref<2000x128xf32, #tpu.memory_space<vmem>>, vector<2000x128xf32>
    tpu.vector_store %arg6[%swap3A, %swap3A_33], %mul3A_32 {strides = array<i32>} : memref<2000x128xf32, #tpu.memory_space<vmem>>, vector<2000x128xf32>,
    return
  }
  func.func @transform_0(%arg0: i32) -> (i32, i32, i32) {
    %c0_i32 = arith.constant 0 : i32
    %c0_i32_0 = arith.constant 0 : i32
    %c0_i32_1 = arith.constant 0 : i32
    return %c0_i32, %arg0, %c0_i32_0 : i32, i32, i32
  }
  func.func @transform_1(%arg0: i32) -> (i32, i32) {
    %c0_i32 = arith.constant 0 : i32
    %c0_i32_0 = arith.constant 0 : i32
    return %arg0, %c0_i32 : i32, i32
  }
  func.func @transform_2(%arg0: i32) -> (i32, i32) {
    %c0_i32 = arith.constant 0 : i32
    %c0_i32_0 = arith.constant 0 : i32
    return %arg0, %c0_i32 : i32, i32
  }
  func.func @transform_3(%arg0: i32) -> (i32, i32) {
    %c0_i32 = arith.constant 0 : i32
    %c0_i32_0 = arith.constant 0 : i32
    %c0_i32_1 = arith.constant 0 : i32
    return %c0_i32, %c0_i32_0 : i32, i32
  }
  func.func @transform_4(%arg0: i32) -> (i32, i32) {
    %c0_i32 = arith.constant 0 : i32
    %c0_i32_0 = arith.constant 0 : i32
    %c0_i32_1 = arith.constant 0 : i32
    return %c0_i32, %c0_i32_0 : i32, i32
  }
  func.func @transform_5(%arg0: i32) -> (i32, i32) {
    %c0_i32 = arith.constant 0 : i32
    %c0_i32_0 = arith.constant 0 : i32
    return %arg0, %c0_i32 : i32, i32
  }
}

module attributes {stable_mosaic.version = 14 : i64} {
  func.func @_pre_body(%arg0: i32, %arg1: memref<2x2000x1xf32, #tpu.memory_space<vmem>>, %arg2: memref<2000x128xf32, #tpu.memory_space<vmem>>, %arg3: memref<128x128xf32, #tpu.memory_space<vmem>>, %arg4: memref<2000x1xf32, #tpu.memory_space<vmem>>, %arg5: memref<2000x128xf32, #tpu.memory_space<vmem>>) attributes {dimension_semantics = [#tpu.dimension_semantics<arbitrary>], iteration_bounds = array<i64: 5>, scalar_prefetch = 0 : i64, scratch_operands = 0 : i64, tpu.core_type = #tpu.core_type<tc>, window_params = [{transform_indices = @transform_0, window_bounds = array<i64: 2, 2000, 1>}, {transform_indices = @transform_1, window_bounds = array<i64: 2000, 128>}, {pipeline_mode = #tpu.pipeline_mode<synchronous>, transform_indices = @transform_2, window_bounds = array<i64: 128, 128>}, {transform_indices = @transform_3, window_bounds = array<i64: 2000, 1>}, {transform_indices = @transform_4, window_bounds = array<i64: 2000, 128>}]} {
    %get3A = arith.constant 0 : index
    %get3A_0 = arith.constant 0 : index
    %get3A_1 = arith.constant 0 : index
    %get3A_2 = vector.load %arg1[%get3A, %get3A_0, %get3A_1] : memref<2x2000x1xf32, #tpu.memory_space<vmem>>, vector<1x2000x1xf32>
    %get3A_3 = vector.shape_cast %get3A_2 : vector<1x2000x1xf32> to vector<2000x1xf32>
    %get3A_4 = arith.constant 1 : index
    %get3A_5 = arith.constant 0 : index
    %get3A_6 = arith.constant 0 : index
    %get3A_7 = vector.load %arg1[%get3A_4, %get3A_5, %get3A_6] : memref<2x2000x1xf32, #tpu.memory_space<vmem>>, vector<1x2000x1xf32>
    %get3A_8 = vector.shape_cast %get3A_7 : vector<1x2000x1xf32> to vector<2000x1xf32>
    %add3A = arith.addf %get3A_3, %get3A_8 : vector<2000x1xf32>
    %add3A_9 = arith.constant 1.000000e+00 : f32
    %add3A_10 = vector.broadcast %add3A_9 : f32 to vector<2000x1xf32>
    %add3A_11 = arith.addf %add3A, %add3A_10 : vector<2000x1xf32>
    %rsqrt3A = math.rsqrt %add3A_11 : vector<2000x1xf32>
    %swap3A = arith.constant 0 : index
    %swap3A_12 = arith.constant 0 : index
    %swap3A_13 = vector.load %arg4[%swap3A, %swap3A_12] : memref<2000x1xf32, #tpu.memory_space<vmem>>, vector<2000x1xf32>
    tpu.vector_store %arg4[%swap3A, %swap3A_12], %rsqrt3A {strides = array<i32>} : memref<2000x1xf32, #tpu.memory_space<vmem>>, vector<2000x1xf32>,
    %get3A_14 = arith.constant 0 : index
    %get3A_15 = arith.constant 0 : index
    %get3A_16 = vector.load %arg2[%get3A_14, %get3A_15] : memref<2000x128xf32, #tpu.memory_space<vmem>>, vector<2000x128xf32>
    %get3A_17 = arith.constant 0 : index
    %get3A_18 = arith.constant 0 : index
    %get3A_19 = vector.load %arg3[%get3A_17, %get3A_18] : memref<128x128xf32, #tpu.memory_space<vmem>>, vector<128x128xf32>
    %dot_general3A = arith.constant dense<0.000000e+00> : vector<2000x128xf32>
    %dot_general3A_20 = tpu.matmul %get3A_16, %get3A_19, %dot_general3A {dimension_numbers = #tpu.dot_dimension_numbers<[1], [0], [0], [1], [0, 0, 1, 1], [], []>, transpose_lhs_hint = false} : vector<2000x128xf32>, vector<128x128xf32>, vector<2000x128xf32> -> vector<2000x128xf32>
    %mul3A = vector.broadcast %rsqrt3A : vector<2000x1xf32> to vector<2000x128xf32>
    %mul3A_21 = arith.mulf %dot_general3A_20, %mul3A : vector<2000x128xf32>
    %swap3A_22 = arith.constant 0 : index
    %swap3A_23 = arith.constant 0 : index
    %swap3A_24 = vector.load %arg5[%swap3A_22, %swap3A_23] : memref<2000x128xf32, #tpu.memory_space<vmem>>, vector<2000x128xf32>
    tpu.vector_store %arg5[%swap3A_22, %swap3A_23], %mul3A_21 {strides = array<i32>} : memref<2000x128xf32, #tpu.memory_space<vmem>>, vector<2000x128xf32>,
    return
  }
  func.func @transform_0(%arg0: i32) -> (i32, i32, i32) {
    %c0_i32 = arith.constant 0 : i32
    %c0_i32_0 = arith.constant 0 : i32
    %c0_i32_1 = arith.constant 0 : i32
    return %c0_i32, %arg0, %c0_i32_0 : i32, i32, i32
  }
  func.func @transform_1(%arg0: i32) -> (i32, i32) {
    %c0_i32 = arith.constant 0 : i32
    %c0_i32_0 = arith.constant 0 : i32
    return %arg0, %c0_i32 : i32, i32
  }
  func.func @transform_2(%arg0: i32) -> (i32, i32) {
    %c0_i32 = arith.constant 0 : i32
    %c0_i32_0 = arith.constant 0 : i32
    %c0_i32_1 = arith.constant 0 : i32
    return %c0_i32, %c0_i32_0 : i32, i32
  }
  func.func @transform_3(%arg0: i32) -> (i32, i32) {
    %c0_i32 = arith.constant 0 : i32
    %c0_i32_0 = arith.constant 0 : i32
    return %arg0, %c0_i32 : i32, i32
  }
  func.func @transform_4(%arg0: i32) -> (i32, i32) {
    %c0_i32 = arith.constant 0 : i32
    %c0_i32_0 = arith.constant 0 : i32
    return %arg0, %c0_i32 : i32, i32
  }
}

module attributes {stable_mosaic.version = 14 : i64} {
  func.func @_fin_body(%arg0: i32, %arg1: memref<2x2000x128xf32, #tpu.memory_space<vmem>>, %arg2: memref<2000x128xf32, #tpu.memory_space<vmem>>, %arg3: memref<2000x1xf32, #tpu.memory_space<vmem>>, %arg4: memref<1x128xf32, #tpu.memory_space<vmem>>, %arg5: memref<2000x128xf32, #tpu.memory_space<vmem>>) attributes {dimension_semantics = [#tpu.dimension_semantics<arbitrary>], iteration_bounds = array<i64: 5>, scalar_prefetch = 0 : i64, scratch_operands = 0 : i64, tpu.core_type = #tpu.core_type<tc>, window_params = [{transform_indices = @transform_0, window_bounds = array<i64: 2, 2000, 128>}, {transform_indices = @transform_1, window_bounds = array<i64: 2000, 128>}, {transform_indices = @transform_2, window_bounds = array<i64: 2000, 1>}, {pipeline_mode = #tpu.pipeline_mode<synchronous>, transform_indices = @transform_3, window_bounds = array<i64: 1, 128>}, {transform_indices = @transform_4, window_bounds = array<i64: 2000, 128>}]} {
    %get3A = arith.constant 0 : index
    %get3A_0 = arith.constant 0 : index
    %get3A_1 = arith.constant 0 : index
    %get3A_2 = vector.load %arg1[%get3A, %get3A_0, %get3A_1] : memref<2x2000x128xf32, #tpu.memory_space<vmem>>, vector<1x2000x128xf32>
    %get3A_3 = vector.shape_cast %get3A_2 : vector<1x2000x128xf32> to vector<2000x128xf32>
    %get3A_4 = arith.constant 1 : index
    %get3A_5 = arith.constant 0 : index
    %get3A_6 = arith.constant 0 : index
    %get3A_7 = vector.load %arg1[%get3A_4, %get3A_5, %get3A_6] : memref<2x2000x128xf32, #tpu.memory_space<vmem>>, vector<1x2000x128xf32>
    %get3A_8 = vector.shape_cast %get3A_7 : vector<1x2000x128xf32> to vector<2000x128xf32>
    %add3A = arith.addf %get3A_3, %get3A_8 : vector<2000x128xf32>
    %get3A_9 = arith.constant 0 : index
    %get3A_10 = arith.constant 0 : index
    %get3A_11 = vector.load %arg2[%get3A_9, %get3A_10] : memref<2000x128xf32, #tpu.memory_space<vmem>>, vector<2000x128xf32>
    %add3A_12 = arith.addf %add3A, %get3A_11 : vector<2000x128xf32>
    %get3A_13 = arith.constant 0 : index
    %get3A_14 = arith.constant 0 : index
    %get3A_15 = vector.load %arg3[%get3A_13, %get3A_14] : memref<2000x1xf32, #tpu.memory_space<vmem>>, vector<2000x1xf32>
    %mul3A = vector.broadcast %get3A_15 : vector<2000x1xf32> to vector<2000x128xf32>
    %mul3A_16 = arith.mulf %add3A_12, %mul3A : vector<2000x128xf32>
    %get3A_17 = arith.constant 0 : index
    %get3A_18 = arith.constant 0 : index
    %get3A_19 = vector.load %arg4[%get3A_17, %get3A_18] : memref<1x128xf32, #tpu.memory_space<vmem>>, vector<1x128xf32>
    %add3A_20 = vector.broadcast %get3A_19 : vector<1x128xf32> to vector<2000x128xf32>
    %add3A_21 = arith.addf %mul3A_16, %add3A_20 : vector<2000x128xf32>
    %swap3A = arith.constant 0 : index
    %swap3A_22 = arith.constant 0 : index
    %swap3A_23 = vector.load %arg5[%swap3A, %swap3A_22] : memref<2000x128xf32, #tpu.memory_space<vmem>>, vector<2000x128xf32>
    tpu.vector_store %arg5[%swap3A, %swap3A_22], %add3A_21 {strides = array<i32>} : memref<2000x128xf32, #tpu.memory_space<vmem>>, vector<2000x128xf32>,
    return
  }
  func.func @transform_0(%arg0: i32) -> (i32, i32, i32) {
    %c0_i32 = arith.constant 0 : i32
    %c0_i32_0 = arith.constant 0 : i32
    %c0_i32_1 = arith.constant 0 : i32
    return %c0_i32, %arg0, %c0_i32_0 : i32, i32, i32
  }
  func.func @transform_1(%arg0: i32) -> (i32, i32) {
    %c0_i32 = arith.constant 0 : i32
    %c0_i32_0 = arith.constant 0 : i32
    return %arg0, %c0_i32 : i32, i32
  }
  func.func @transform_2(%arg0: i32) -> (i32, i32) {
    %c0_i32 = arith.constant 0 : i32
    %c0_i32_0 = arith.constant 0 : i32
    return %arg0, %c0_i32 : i32, i32
  }
  func.func @transform_3(%arg0: i32) -> (i32, i32) {
    %c0_i32 = arith.constant 0 : i32
    %c0_i32_0 = arith.constant 0 : i32
    %c0_i32_1 = arith.constant 0 : i32
    return %c0_i32, %c0_i32_0 : i32, i32
  }
  func.func @transform_4(%arg0: i32) -> (i32, i32) {
    %c0_i32 = arith.constant 0 : i32
    %c0_i32_0 = arith.constant 0 : i32
    return %arg0, %c0_i32 : i32, i32
  }
}

</mosaic_0001>

<sc_bundles>
// kernel: kernel.11.cloned.1.call-start
scs
__scs_entry_jumppad:
0x0: {  	(pc) =	sbr.rel $0x88, $3  }
0x1: {  	(tag) =	ssettag $0x0;
	lr =	simm.s32 $0x1  }
0x2: {  	[smem:$0x3F9B] =	sst lr;
	_ =	strace $0xD0000000  }
0x3: {  	_ = 	snop  }
0x4: {  	_ = 	snop  }
0x5: {  	_ = 	snop  }
0x6: {  	_ = 	snop  }
0x7: {  	_ = 	snop  }
__scs_overlays_trampoline_lowered:
0x8: {  	[smem:$0x3FAA] =	sst s0  }
0x9: {  	[smem:$0x3FAB] =	sst s1  }
0xa: {  	[smem:$0x3FAC] =	sst s2  }
0xb: {  	[smem:$0x3FAD] =	sst s3  }
0xc: {  	[smem:$0x3FAE] =	sst s4  }
0xd: {  	[smem:$0x3FAF] =	sst s5  }
0xe: {  	[smem:$0x3FB0] =	sst s6  }
0xf: {  	[smem:$0x3FB1] =	sst s7  }
0x10: {  	[smem:$0x3FB2] =	sst s8  }
0x11: {  	[smem:$0x3FB3] =	sst s9;
	s0 =	simm.s32 @!p0 $0x0  }
0x12: {  	s1 =	sld [smem:$0x3F99];
	s0 =	simm.s32 @p0 $0x1  }
0x13: {  	[smem:$0x3FB4] =	sst s0;
	s0 =	simm.s32 @!p1 $0x0  }
0x14: {  	s2 =	sld [smem:$0x3F98];
	s0 =	simm.s32 @p1 $0x1  }
0x15: {  	[smem:$0x3FB5] =	sst s0;
	s0 =	simm.s32 @!p2 $0x0  }
0x16: {  	s3 =	sld [smem:$0x3FDB];
	s0 =	simm.s32 @p2 $0x1  }
0x17: {  	s4 =	simm.s32 $0x1BF5;
	[smem:$0x3FB7] =	sst s0  }
0x18: {  	s0 =	sld [smem:$0x3F9A];
	_ =	swait.ge [sflag:s4], $0x0  }
0x19: {  	s7 =	sld [smem:$0x3F9B]  }
0x1a: {  	s8 =	sadd.s32 $0xFFFFE003, lr  }
0x1b: {  	s9 =	sadd.s32 $0xFFFFFEF7, lr;
	s5 =	simm.s32 $0xFFFFFFFF;
	p2 =	slt.u32 s8, $0xFFFFF086  }
0x1c: {  	p1 =	slt.u32 s9, $0xF7A;
	s5 =	simm.s32 @!p2 $0x0  }
0x1d: {  	s5 =	simm.s32 @p1 $0x1;
	p0 =	seq.s32 s7, s2  }
0x1e: {  	s7 =	smul.u32 @!p0 $0xF7A, s2;
	p2 =	seq.s32 @!p0 s5, $0x0  }
0x1f: {  	s9 =	smul.u32 $0xF7A, s1;
	s8 =	simm.s32 @!p0 $0x1BF5;
	p2 =	por !p2, p0  }
0x20: {  	[sflag:s8] =	ssyncset.s32 @!p0 $0xFFFFF086;
	s6 =	sadd.s32 @!p0 s3, s7;
	s7 =	simm.s32 @!p0 $0x108  }
0x21: {  	s3 =	sadd.s32 s3, s9;
	s6 =	sadd.s32 @!p0 $0x88, s6;
	s7 =	simm.s32 @p2 $0x1082  }
0x22: {  	[simem:s7], [sflag:s8] =	dma.local @!p0 [hbm:s6], $0xF7A  }
0x23: {  	s9 =	sor.u32 $0xD0000000, s2;
	s6 =	simm.s32 $0x108;
	_ =	swait.ge @!p0 [sflag:s8], $0x0  }
0x24: {  	s3 =	sadd.s32 $0x88, s3;
	s6 =	simm.s32 @!p1 $0x1082;
	[sflag:s4] =	ssyncset.s32 $0xFFFFF086  }
0x25: {  	[simem:s6], [sflag:s4] =	dma.local [hbm:s3], $0xF7A  }
0x26: {  	[smem:$0x3F9B] =	sst s1;
	(tag) =	ssettag s2;
	_ =	strace s9  }
0x27: {  	s1 =	sld [smem:$0x3FAB]  }
0x28: {  	s2 =	sld [smem:$0x3FAC]  }
0x29: {  	s4 =	sld [smem:$0x3FAE]  }
0x2a: {  	p0 =	seq.s32 s5, $0x0;
	s5 =	sld [smem:$0x3FAF]  }
0x2b: {  	s6 =	sld [smem:$0x3FB0]  }
0x2c: {  	s7 =	sld [smem:$0x3FB1]  }
0x2d: {  	s3 =	simm.s32 $0x108;
	s8 =	sld [smem:$0x3FB2]  }
0x2e: {  	s3 =	simm.s32 @!p0 $0x1082;
	s9 =	sld [smem:$0x3FB3]  }
0x2f: {  	lr =	sadd.s32 s0, s3;
	s0 =	sld [smem:$0x3FAA]  }
0x30: {  	s3 =	sld [smem:$0x3FAD]  }
0x31: {  	[smem:$0x3FB6] =	sst s10  }
0x32: {  	s10 =	sld [smem:$0x3FB4];
	_ =	sdelay $0x3  }
0x33: {  	p0 =	seq.s32 s10, $0x1;
	s10 =	sld [smem:$0x3FB6];
	_ =	sdelay $0x3  }
0x34: {  	[smem:$0x3FB6] =	sst s10  }
0x35: {  	s10 =	sld [smem:$0x3FB5];
	_ =	sdelay $0x3  }
0x36: {  	p1 =	seq.s32 s10, $0x1;
	s10 =	sld [smem:$0x3FB6];
	_ =	sdelay $0x3  }
0x37: {  	[smem:$0x3FB6] =	sst s10  }
0x38: {  	s10 =	sld [smem:$0x3FB7]  }
0x39: {  	_ = 	snop;
	(pc) =	sbr.ind lr, $3  }
0x3a: {  	_ = 	snop  }
0x3b: {  	_ = 	snop  }
0x3c: {  	p2 =	seq.s32 s10, $0x1;
	s10 =	sld [smem:$0x3FB6]  }
0x3d: {  	_ =	shalt  }
0x3e: {  	_ =	shalt  }
0x3f: {  	_ =	shalt  }
0x40: {  	_ =	shalt  }
0x41: {  	_ =	shalt  }
0x42: {  	_ =	shalt  }
0x43: {  	_ =	shalt  }
0x44: {  	_ =	shalt  }
0x45: {  	_ =	shalt  }
0x46: {  	_ =	shalt  }
0x47: {  	_ =	shalt  }
0x48: {  	_ =	shalt  }
0x49: {  	_ =	shalt  }
0x4a: {  	_ =	shalt  }
0x4b: {  	_ =	shalt  }
0x4c: {  	_ =	shalt  }
0x4d: {  	_ =	shalt  }
0x4e: {  	_ =	shalt  }
0x4f: {  	_ =	shalt  }
0x50: {  	_ =	shalt  }
0x51: {  	_ =	shalt  }
0x52: {  	_ =	shalt  }
0x53: {  	_ =	shalt  }
0x54: {  	_ =	shalt  }
0x55: {  	_ =	shalt  }
0x56: {  	_ =	shalt  }
0x57: {  	_ =	shalt  }
0x58: {  	_ =	shalt  }
0x59: {  	_ =	shalt  }
0x5a: {  	_ =	shalt  }
0x5b: {  	_ =	shalt  }
0x5c: {  	_ =	shalt  }
0x5d: {  	_ =	shalt  }
0x5e: {  	_ =	shalt  }
0x5f: {  	_ =	shalt  }
0x60: {  	_ =	shalt  }
0x61: {  	_ =	shalt  }
0x62: {  	_ =	shalt  }
0x63: {  	_ =	shalt  }
0x64: {  	_ =	shalt  }
0x65: {  	_ =	shalt  }
0x66: {  	_ =	shalt  }
0x67: {  	_ =	shalt  }
0x68: {  	_ =	shalt  }
0x69: {  	_ =	shalt  }
0x6a: {  	_ =	shalt  }
0x6b: {  	_ =	shalt  }
0x6c: {  	_ =	shalt  }
0x6d: {  	_ =	shalt  }
0x6e: {  	_ =	shalt  }
0x6f: {  	_ =	shalt  }
0x70: {  	_ =	shalt  }
0x71: {  	_ =	shalt  }
0x72: {  	_ =	shalt  }
0x73: {  	_ =	shalt  }
0x74: {  	_ =	shalt  }
0x75: {  	_ =	shalt  }
0x76: {  	_ =	shalt  }
0x77: {  	_ =	shalt  }
0x78: {  	_ =	shalt  }
0x79: {  	_ =	shalt  }
0x7a: {  	_ =	shalt  }
0x7b: {  	_ =	shalt  }
0x7c: {  	_ =	shalt  }
0x7d: {  	_ =	shalt  }
0x7e: {  	_ =	shalt  }
0x7f: {  	_ =	shalt  }
0x80: {  	_ =	shalt  }
0x81: {  	_ =	shalt  }
0x82: {  	_ =	shalt  }
0x83: {  	_ =	shalt  }
0x84: {  	_ =	shalt  }
0x85: {  	_ =	shalt  }
0x86: {  	_ =	shalt  }
0x87: {  	_ =	shalt  }
.Lfunc_end0:
.L_simem_size_0:
called_computation.1_lowered:
.L_overlay_start_0:
0x88: {  	s2 =	sld [smem:$0x3FD9]  }
0x89: {  	s3 =	sld [smem:$0x3FFE];
	_ =	sdelay $0x1  }
0x8a: {  	s1 =	srdreg.scid  }
0x8b: {  	s0 =	sand.u32 $0x1, s1  }
0x8c: {  	s17 =	sshll.u32 s0, $0xA;
	s2 =	sadd.s32 s3, s2  }
0x8d: {  	s2 =	sadd.s32 s2, s17  }
0x8e: {  	[smem:$0x3FC2] =	sst s2  }
0x8f: {  	_ = 	snop  }
0x90: {  	s2 =	sld [smem:$0x3FD0];
	(tm) =	ssettm $0x1  }
0x91: {  	s18 =	sld [smem:$0x3FFB];
	_ =	sdelay $0x3  }
0x92: {  	_ =	strace s18  }
0x93: {  	s3 =	sld [smem:$0x3FFC];
	_ =	sdelay $0x3  }
0x94: {  	_ =	strace s3  }
0x95: {  	s3 =	sld [smem:$0x3FFD];
	_ =	sdelay $0x3  }
0x96: {  	_ =	strace s3  }
0x97: {  	_ =	strace $0x8FFFFFFF  }
0x98: {  	s19 =	sld [smem:$0x3FDB];
	_ =	sdelay $0x1  }
0x99: {  	s4 =	simm.s32 $_scs_section_size  }
0x9a: {  	s5 =	simm.s32 $_size__tile_overlayer_lowered;
	s6 =	simm.s32 $_tile_overlayer_lowered  }
0x9b: {  	s22 =	simm.s32 $0x1BFF;
	s21 =	sshll.u32 s6, $0x1;
	s3 =	sadd.s32 s4, s19  }
0x9c: {  	s7 =	simm.s32 $0x0;
	s20 =	sshll.u32 s5, $0x1;
	s5 =	sadd.s32 s21, s3  }
0x9d: {  	[timem:s7], [sflag:s22] =	dma.local [hbm:s5], s20  }
0x9e: {  	_ =	swait.ge [sflag:s22], s20  }
0x9f: {  	s4 =	ssub.s32 $0x0, s20;
	[sflag:s22] =	ssyncset.done $0x0  }
0xa0: {  	[sflag:s22] =	ssyncadd.s32 s4;
	_ =	sdelay $0x1  }
0xa1: {  	s23 =	simm.s32 $0x1B8B  }
0xa2: {  	_ =	swait.ge [sflag:s23], $0x1  }
0xa3: {  	[sflag:s23] =	ssyncset.done $0x0  }
0xa4: {  	s25 =	simm.s32 $0x1B8E;
	s24 =	sld [smem:$0x3FFE];
	[sflag:s23] =	ssyncadd.s32 $0xFFFFFFFF  }
0xa5: {  	s26 =	simm.s32 $execute0_lowered;
	[smem:$0x3FD2] =	sst s25  }
0xa6: {  	s5 =	sshll.u32 s26, $0x1;
	_ =	strace $0x80000049;
	[dreg:$0x1] =	wrdreg $0xFFFFFFFF  }
0xa7: {  	s28 =	simm.s32 $_size_execute0_lowered;
	s3 =	sadd.s32 s3, s5;
	[dreg:$0x0] =	wrdreg $0x0  }
0xa8: {  	s5 =	sshll.u32 s28, $0x1;
	[dreg:$0x2] =	wrdreg s3  }
0xa9: {  	[dreg:$0x3] =	wrdreg s5  }
0xaa: {  	[dreg:$0x4] =	wrdreg $0xC0  }
0xab: {  	_ =	task [dreg:s7], $0x5FFFF  }
0xac: {  	[dreg:$0x1] =	wrdreg $0xFFFFFFFF  }
0xad: {  	[dreg:$0x0] =	wrdreg $0x60  }
0xae: {  	[dreg:$0x2] =	wrdreg s2  }
0xaf: {  	[dreg:$0x3] =	wrdreg s24  }
0xb0: {  	[dreg:$0x4] =	wrdreg $0x9E200  }
0xb1: {  	[dreg:$0x5] =	wrdreg $0x9  }
0xb2: {  	_ =	task.clear_ibuf [dreg:s7], $0x6FFFF;
	_ =	strace $0x90000049  }
0xb3: {  	s29 =	simm.s32 $0x9;
	_ =	strace $0x8000004B  }
0xb4: {  	_ =	swait.ge [sflag:s29], $0x1  }
0xb5: {  	[sflag:s29] =	ssyncadd.s32 $0xFFFFFFFF  }
0xb6: {  	_ =	strace $0x9000004B  }
0xb7: {  	_ =	sfence  }
0xb8: {  	s30 =	sld [smem:$0x0];
	_ =	sdelay $0x2  }
0xb9: {  	s31 =	sshll.u32 s1, $0xD;
	s1 =	sshrl.u32 s1, $0x2  }
0xba: {  	s3 =	sand.u32 $0x4000, s31;
	s1 =	sadd.s32 s1, s30  }
0xbb: {  	s0 =	sor.u32 s3, s0;
	s1 =	sshll.u32 s1, $0x11  }
0xbc: {  	s0 =	sor.u32 s1, s0  }
0xbd: {  	s0 =	sadd.s32 $0x8F2B, s0  }
0xbe: {  	[sflag:s0] =	ssyncadd.remote.s32 $0x1  }
0xbf: {  	_ =	sfence.sel $0xFFFF  }
0xc0: {  	[dreg:$0x0] =	wrdreg $0xFFFFFFFF;
	(pc) =	sbr.abs _section_cstart, $3  }
0xc1: {  	[dreg:$0x1] =	wrdreg $0xFFFFFFFF  }
0xc2: {  	_ =	task.clear_ibuf [dreg:s7], $0x2FFFF;
	_ =	strace $0x9FFFFFFF  }
0xc3: {  	(tm) =	ssettm $0x7FFFFFFF  }
tec
execute0_lowered:
.L_overlay_start_1:
0x0: {  	(tag) =	ssettag $0x1  }
0x1: {  	s1 =	rddreg [dreg:$0x0]  }
0x2: {  	s0 =	rddreg [dreg:$0x1]  }
0x3: {  	s2 =	rddreg [dreg:$0x2];
	s3 =	srdreg.scid  }
0x4: {  	s4 =	simm.s32 $0x0;
	s26 =	stileid.u32;
	s17 =	simm.s32 $0x3  }
0x5: {  	s18 =	simm.s32 $0x2710;
	s19 =	simm.s32 $0x4E20;
	s20 =	simm.s32 $0x50  }
0x6: {  	s21 =	simm.s32 $0x7620;
	s22 =	simm.s32 $0x1;
	s23 =	simm.s32 $0x2  }
0x7: {  	s24 =	simm.s32 $0x4D30;
	s28 =	simm.s32 $0x4D80;
	s8 =	smul.u32 $0x14000, s26  }
0x8: {  	s29 =	simm.s32 $0x4DD0;
	s5 =	sand.u32 $0x1, s3;
	s10 =	smul.u32 $0x50000, s26  }
0x9: {  	s30 =	simm.s32 $0x0;
	[smem:$0x7FF] =	sst s4;
	s6 =	smul.u32 $0x140000, s5  }
0xa: {  	s7 =	sshll.u32 s5, $0x4;
	_ =	strace $0x8000004A;
	s5 =	ssub.s32 $0x2, s5  }
0xb: {  	s7 =	sor.u32 s26, s7;
	s9 =	sshrl.u32 s5, $0x1;
	s10 =	sshrl.u32 s10, $0x2  }
0xc: {  	s31 =	sadd.s32 s8, s2;
	s26 =	simm.s32 $0x26C0;
	s7 =	smul.u32 $0x4E2, s7  }
0xd: {  	s6 =	sadd.s32 s8, s6;
	s9 =	ssub.s32 s5, s9;
	s8 =	sadd.s32 s10, s2  }
0xe: {  	s25 =	sshrl.u32 s31, $0x3;
	s6 =	sshrl.u32 s6, $0x3;
	s9 =	smax.u32 s9, $0x1  }
0xf: {  	s10 =	sadd.s32 $0x2800, s8;
	s11 =	sadd.s32 $0x5000, s8;
	s12 =	sadd.s32 $0x7800, s8  }
0x10: {  	s13 =	sadd.s32 $0xA000, s8;
	s14 =	sadd.s32 $0xC800, s8;
	s15 =	sadd.s32 $0xF000, s8  }
0x11: {  	s16 =	sadd.s32 $0x11800, s8;
	s7 =	sadd.s32 s7, s0;
	s0 =	sadd.s32 s6, s0  }
0x12: {  	v0 =	vimm.f32 $0.0e+00;
	s5 =	sadd.s32 $0x2000, s7;
	s6 =	sadd.s32 $0xBE00, s7;
	s7 =	sadd.s32 $0x15C00, s0  }
.LBB2_1:
0x13: {  	[tilespmem:s4], [sflag:$0x3] =	stream.linear.gather [hbm4b:s5+s4], $0x2710, $0x38;
	[tilespmem:$0x1DE20] =	vst v63  }
0x14: {  	_ =	swait.ge [sflag:s17], $0x2710  }
0x15: {  	[sflag:s17] =	ssyncset.done $0x0  }
0x16: {  	[sflag:s17] =	ssyncadd.s32 $0xFFFFD8F0  }
0x17: {  	[tilespmem:s18], [sflag:$0x3] =	stream.linear.gather [hbm4b:s6+s4], $0x2710, $0x38;
	[tilespmem:$0x1DE20] =	vst v63  }
0x18: {  	_ =	swait.ge [sflag:s17], $0x2710  }
0x19: {  	[sflag:s17] =	ssyncset.done $0x0  }
0x1a: {  	s31 =	simm.s32 $0x70;
	s0 =	simm.s32 $0x3C0;
	[sflag:s17] =	ssyncadd.s32 $0xFFFFD8F0  }
.LBB2_2:
0x1b: {  	p0 =	sne.s32 s0, $0x9FC0;
	[tilespmem:s31+$0x4E20] =	vst v0  }
0x1c: {  	[tilespmem:s31+$0x4DB0] =	vst v0  }
0x1d: {  	[tilespmem:s31+$0x4DC0] =	vst v0  }
.Ltmp0:
0x1e: {  	[tilespmem:s31+$0x4DD0] =	vst v0;
	(pc) =	sbr.rel @p0 .LBB2_2-.Ltmp0, $4  }
0x1f: {  	[tilespmem:s31+$0x4DE0] =	vst v0  }
0x20: {  	[tilespmem:s31+$0x4DF0] =	vst v0  }
0x21: {  	[tilespmem:s31+$0x4E00] =	vst v0  }
0x22: {  	[tilespmem:s31+$0x4E10] =	vst v0;
	s31 =	sshra.s32 s0, $0x2;
	s0 =	sadd.s32 $0x200, s0  }
0x23: {  	[tilespmem:s31+$0x4E20] =	vst v0  }
0x24: {  	[tilespmem:s31+$0x4DB0] =	vst v0  }
0x25: {  	[tilespmem:s31+$0x4DC0] =	vst v0  }
0x26: {  	[tilespmem:s31+$0x4DD0] =	vst v0  }
0x27: {  	[tilespmem:s31+$0x4DE0] =	vst v0  }
0x28: {  	[tilespmem:s31+$0x4DF0] =	vst v0  }
0x29: {  	[tilespmem:s31+$0x4E00] =	vst v0  }
0x2a: {  	[tilespmem:s31+$0x4E10] =	vst v0  }
0x2b: {  	[spmem:s8] =	stream.linear.scatter [tilespmem:s19], [sflag:$0x3], $0x2800, $0x38;
	[tilespmem:$0x1DE20] =	vst v63  }
0x2c: {  	_ =	swait.ge [sflag:s17], $0x2800  }
0x2d: {  	[sflag:s17] =	ssyncset.done $0x0  }
0x2e: {  	[sflag:s17] =	ssyncadd.s32 $0xFFFFD800  }
0x2f: {  	[spmem:s10] =	stream.linear.scatter [tilespmem:s19], [sflag:$0x3], $0x2800, $0x38;
	[tilespmem:$0x1DE20] =	vst v63  }
0x30: {  	_ =	swait.ge [sflag:s17], $0x2800  }
0x31: {  	[sflag:s17] =	ssyncset.done $0x0  }
0x32: {  	[sflag:s17] =	ssyncadd.s32 $0xFFFFD800  }
0x33: {  	[spmem:s11] =	stream.linear.scatter [tilespmem:s19], [sflag:$0x3], $0x2800, $0x38;
	[tilespmem:$0x1DE20] =	vst v63  }
0x34: {  	_ =	swait.ge [sflag:s17], $0x2800  }
0x35: {  	[sflag:s17] =	ssyncset.done $0x0  }
0x36: {  	[sflag:s17] =	ssyncadd.s32 $0xFFFFD800  }
0x37: {  	[spmem:s12] =	stream.linear.scatter [tilespmem:s19], [sflag:$0x3], $0x2800, $0x38;
	[tilespmem:$0x1DE20] =	vst v63  }
0x38: {  	_ =	swait.ge [sflag:s17], $0x2800  }
0x39: {  	[sflag:s17] =	ssyncset.done $0x0  }
0x3a: {  	[sflag:s17] =	ssyncadd.s32 $0xFFFFD800  }
0x3b: {  	[spmem:s13] =	stream.linear.scatter [tilespmem:s19], [sflag:$0x3], $0x2800, $0x38;
	[tilespmem:$0x1DE20] =	vst v63  }
0x3c: {  	_ =	swait.ge [sflag:s17], $0x2800  }
0x3d: {  	[sflag:s17] =	ssyncset.done $0x0  }
0x3e: {  	[sflag:s17] =	ssyncadd.s32 $0xFFFFD800  }
0x3f: {  	[spmem:s14] =	stream.linear.scatter [tilespmem:s19], [sflag:$0x3], $0x2800, $0x38;
	[tilespmem:$0x1DE20] =	vst v63  }
0x40: {  	_ =	swait.ge [sflag:s17], $0x2800  }
0x41: {  	[sflag:s17] =	ssyncset.done $0x0  }
0x42: {  	[sflag:s17] =	ssyncadd.s32 $0xFFFFD800  }
0x43: {  	[spmem:s15] =	stream.linear.scatter [tilespmem:s19], [sflag:$0x3], $0x2800, $0x38;
	[tilespmem:$0x1DE20] =	vst v63  }
0x44: {  	_ =	swait.ge [sflag:s17], $0x2800  }
0x45: {  	[sflag:s17] =	ssyncset.done $0x0  }
0x46: {  	[sflag:s17] =	ssyncadd.s32 $0xFFFFD800  }
0x47: {  	[spmem:s16] =	stream.linear.scatter [tilespmem:s19], [sflag:$0x3], $0x2800, $0x38;
	[tilespmem:$0x1DE20] =	vst v63  }
0x48: {  	_ =	swait.ge [sflag:s17], $0x2800  }
0x49: {  	[sflag:s17] =	ssyncset.done $0x0  }
0x4a: {  	[sflag:s17] =	ssyncadd.s32 $0xFFFFD800  }
0x4b: {  	s0 =	simm.s32 $0x0;
	[bflag:$0x0] =	sbarrier.arrive $0xFFFF  }
0x4c: {  	[tilespmem:s19], [sflag:$0x1] =	stream.indirect.gather [hbm4b:s1+s20], $0x80, s0, s20, $0xb8;
	[tilespmem:$0x1DE20] =	vst v63  }
0x4d: {  	_ = 	snop  }
0x4e: {  	[tilespmem:s21], [sflag:$0x2] =	stream.indirect.gather [hbm4b:s1+s20], $0x80, s20, s20, $0xb8;
	[tilespmem:$0x1DE20] =	vst v63  }
0x4f: {  	_ =	swait.ge [sflag:s22], $0x2800  }
0x50: {  	[sflag:s22] =	ssyncset.done $0x0  }
0x51: {  	s3 =	simm.s32 $0x2710;
	[sflag:s22] =	ssyncadd.s32 $0xFFFFD800  }
0x52: {  	[spmem:s2] =	stream.indirect.scatter.add.f32 [tilespmem:s19], [sflag:$0x3], $0x80, s3, s20, $0xb8;
	[tilespmem:$0x1DE20] =	vst v63  }
0x53: {  	_ =	swait.ge [sflag:s17], $0x2800  }
0x54: {  	[sflag:s17] =	ssyncset.done $0x0  }
0x55: {  	s3 =	simm.s32 $0xA0;
	[sflag:s17] =	ssyncadd.s32 $0xFFFFD800  }
0x56: {  	[tilespmem:s19], [sflag:$0x1] =	stream.indirect.gather [hbm4b:s1+s20], $0x80, s3, s20, $0xb8;
	[tilespmem:$0x1DE20] =	vst v63  }
0x57: {  	_ =	swait.ge [sflag:s23], $0x2800  }
0x58: {  	[sflag:s23] =	ssyncset.done $0x0  }
0x59: {  	s3 =	simm.s32 $0x2760;
	[sflag:s23] =	ssyncadd.s32 $0xFFFFD800  }
0x5a: {  	[spmem:s2] =	stream.indirect.scatter.add.f32 [tilespmem:s21], [sflag:$0x3], $0x80, s3, s20, $0xb8;
	[tilespmem:$0x1DE20] =	vst v63  }
0x5b: {  	_ =	swait.ge [sflag:s17], $0x2800  }
0x5c: {  	[sflag:s17] =	ssyncset.done $0x0  }
0x5d: {  	s31 =	simm.s32 $0x280;
	s0 =	simm.s32 $0xF0;
	[sflag:s17] =	ssyncadd.s32 $0xFFFFD800  }
.LBB2_4:
0x5e: {  	[tilespmem:s21], [sflag:$0x2] =	stream.indirect.gather [hbm4b:s1+s20], $0x80, s0, s20, $0xb8;
	[tilespmem:$0x1DE20] =	vst v63  }
0x5f: {  	s0 =	smov.u32 s31  }
0x60: {  	p0 =	sne.s32 s31, $0x9600;
	s31 =	sadd.s32 $0x280, s31;
	_ =	swait.ge [sflag:s22], $0x2800  }
0x61: {  	s0 =	sshra.s32 s0, $0x2;
	[sflag:s22] =	ssyncset.done $0x0  }
0x62: {  	s3 =	sadd.s32 $0x2710, s0;
	[sflag:s22] =	ssyncadd.s32 $0xFFFFD800  }
0x63: {  	[spmem:s2] =	stream.indirect.scatter.add.f32 [tilespmem:s19], [sflag:$0x3], $0x80, s3, s20, $0xb8;
	[tilespmem:$0x1DE20] =	vst v63  }
0x64: {  	_ =	swait.ge [sflag:s17], $0x2800  }
0x65: {  	[sflag:s17] =	ssyncset.done $0x0  }
0x66: {  	s3 =	sadd.s32 $0xA0, s0;
	[sflag:s17] =	ssyncadd.s32 $0xFFFFD800  }
0x67: {  	[tilespmem:s19], [sflag:$0x1] =	stream.indirect.gather [hbm4b:s1+s20], $0x80, s3, s20, $0xb8;
	[tilespmem:$0x1DE20] =	vst v63  }
0x68: {  	_ =	swait.ge [sflag:s23], $0x2800  }
0x69: {  	[sflag:s23] =	ssyncset.done $0x0  }
.Ltmp1:
0x6a: {  	s3 =	sadd.s32 $0x2760, s0;
	[sflag:s23] =	ssyncadd.s32 $0xFFFFD800;
	(pc) =	sbr.rel @p0 .LBB2_4-.Ltmp1, $4  }
0x6b: {  	[spmem:s2] =	stream.indirect.scatter.add.f32 [tilespmem:s21], [sflag:$0x3], $0x80, s3, s20, $0xb8;
	[tilespmem:$0x1DE20] =	vst v63  }
0x6c: {  	_ =	swait.ge [sflag:s17], $0x2800  }
0x6d: {  	[sflag:s17] =	ssyncset.done $0x0  }
0x6e: {  	s0 =	sadd.s32 $0xF0, s0;
	[sflag:s17] =	ssyncadd.s32 $0xFFFFD800  }
0x6f: {  	[tilespmem:s21], [sflag:$0x2] =	stream.indirect.gather [hbm4b:s1+s20], $0x80, s0, s20, $0xb8;
	[tilespmem:$0x1DE20] =	vst v63  }
0x70: {  	_ =	swait.ge [sflag:s22], $0x2800  }
0x71: {  	[sflag:s22] =	ssyncset.done $0x0  }
0x72: {  	[sflag:s22] =	ssyncadd.s32 $0xFFFFD800  }
0x73: {  	[spmem:s2] =	stream.indirect.scatter.add.f32 [tilespmem:s19], [sflag:$0x3], $0x80, s24, s20, $0xb8;
	[tilespmem:$0x1DE20] =	vst v63  }
0x74: {  	_ =	swait.ge [sflag:s17], $0x2800  }
0x75: {  	[sflag:s17] =	ssyncset.done $0x0  }
0x76: {  	[sflag:s17] =	ssyncadd.s32 $0xFFFFD800  }
0x77: {  	[tilespmem:s19], [sflag:$0x1] =	stream.indirect.gather [hbm4b:s1+s20], $0x80, s26, s20, $0xb8;
	[tilespmem:$0x1DE20] =	vst v63  }
0x78: {  	_ =	swait.ge [sflag:s23], $0x2800  }
0x79: {  	[sflag:s23] =	ssyncset.done $0x0  }
0x7a: {  	[sflag:s23] =	ssyncadd.s32 $0xFFFFD800  }
0x7b: {  	[spmem:s2] =	stream.indirect.scatter.add.f32 [tilespmem:s21], [sflag:$0x3], $0x80, s28, s20, $0xb8;
	[tilespmem:$0x1DE20] =	vst v63  }
0x7c: {  	_ =	swait.ge [sflag:s17], $0x2800  }
0x7d: {  	[sflag:s17] =	ssyncset.done $0x0  }
0x7e: {  	[sflag:s17] =	ssyncadd.s32 $0xFFFFD800  }
0x7f: {  	_ =	swait.ge [sflag:s22], $0x2800  }
0x80: {  	[sflag:s22] =	ssyncset.done $0x0  }
0x81: {  	[sflag:s22] =	ssyncadd.s32 $0xFFFFD800  }
0x82: {  	[spmem:s2] =	stream.indirect.scatter.add.f32 [tilespmem:s19], [sflag:$0x3], $0x80, s29, s20, $0xb8;
	[tilespmem:$0x1DE20] =	vst v63  }
0x83: {  	_ =	swait.ge [sflag:s17], $0x2800  }
0x84: {  	s31 =	stileid.u32;
	s30 =	sadd.s32 $0x1, s30;
	[sflag:s17] =	ssyncset.done $0x0  }
0x85: {  	s0 =	sshll.u32 s31, $0x6;
	p0 =	sne.s32 s30, s9;
	[sflag:s17] =	ssyncadd.s32 $0xFFFFD800  }
.Ltmp2:
0x86: {  	s0 =	sor.u32 $0x1C03, s0;
	[bflag:$0x0] =	sbarrier.arrive $0xFFFF;
	(pc) =	sbr.rel @p0 .LBB2_1-.Ltmp2, $4  }
0x87: {  	[hbm:s7], [sflag:s0] =	dma.local [spmem:s25], $0x2800  }
0x88: {  	_ =	swait.ge [sflag:s17], $0x2800  }
0x89: {  	[sflag:s17] =	ssyncset.done $0x0  }
0x8a: {  	[sflag:s17] =	ssyncadd.s32 $0xFFFFD800  }
0x8b: {  	_ =	sfence.sel $0x180000  }
0x8c: {  	[bflag:$0x0] =	sbarrier.arrive $0xFFFF  }
0x8d: {  	_ =	strace $0x9000004A  }
0x8e: {  	s0 =	stileid.u32;
	[bflag:$0x2] =	sbarrier.arrive $0xFFFF  }
0x8f: {  	p0 =	sne.s32 s0, $0x0;
	s0 =	rddreg [dreg:$0x3]  }
0x90: {  	s0 =	sadd.s32 @!p0 $0x100000, s0  }
0x91: {  	[sflag:s0] =	ssyncadd.tile.s32 @!p0 $0x1;
	_ =	shalt  }
.Lfunc_end2:
_tile_overlayer_lowered:
.L_overlay_start_2:
0x92: {  	(tag) =	ssettag $0x2  }
0x93: {  	s0 =	rddreg [dreg:$0x0];
	s2 =	stileid.u32  }
0x94: {  	s1 =	rddreg [dreg:$0x1];
	p0 =	sne.s32 s2, $0x0  }
0x95: {  	s3 =	rddreg [dreg:$0x2];
	[bflag:$0x3] =	sbarrier.arrive $0xFFFF;
	s2 =	simm.s32 @!p0 $0x1C03  }
0x96: {  	[timem:s3], [sflag:s2] =	dma.local @!p0 [hbm:s0], s1  }
0x97: {  	s0 =	simm.s32 @!p0 $0x3  }
0x98: {  	_ =	swait.ge @!p0 [sflag:s0], s1  }
0x99: {  	s1 =	ssub.s32 @!p0 $0x0, s1;
	[sflag:s0] =	ssyncset.done @!p0 $0x0  }
0x9a: {  	[sflag:s0] =	ssyncadd.s32 @!p0 s1  }
0x9b: {  	[bflag:$0x3] =	sbarrier.arrive $0xFFFF  }
0x9c: {  	_ =	shalt  }

// kernel: kernel.14.cloned.1.call-start
scs
__scs_entry_jumppad:
0x0: {  	(pc) =	sbr.rel $0x88, $3  }
0x1: {  	(tag) =	ssettag $0x0;
	lr =	simm.s32 $0x1  }
0x2: {  	[smem:$0x3F9B] =	sst lr;
	_ =	strace $0xD0000000  }
0x3: {  	_ = 	snop  }
0x4: {  	_ = 	snop  }
0x5: {  	_ = 	snop  }
0x6: {  	_ = 	snop  }
0x7: {  	_ = 	snop  }
__scs_overlays_trampoline_lowered:
0x8: {  	[smem:$0x3FAA] =	sst s0  }
0x9: {  	[smem:$0x3FAB] =	sst s1  }
0xa: {  	[smem:$0x3FAC] =	sst s2  }
0xb: {  	[smem:$0x3FAD] =	sst s3  }
0xc: {  	[smem:$0x3FAE] =	sst s4  }
0xd: {  	[smem:$0x3FAF] =	sst s5  }
0xe: {  	[smem:$0x3FB0] =	sst s6  }
0xf: {  	[smem:$0x3FB1] =	sst s7  }
0x10: {  	[smem:$0x3FB2] =	sst s8  }
0x11: {  	[smem:$0x3FB3] =	sst s9;
	s0 =	simm.s32 @!p0 $0x0  }
0x12: {  	s1 =	sld [smem:$0x3F99];
	s0 =	simm.s32 @p0 $0x1  }
0x13: {  	[smem:$0x3FB4] =	sst s0;
	s0 =	simm.s32 @!p1 $0x0  }
0x14: {  	s2 =	sld [smem:$0x3F98];
	s0 =	simm.s32 @p1 $0x1  }
0x15: {  	[smem:$0x3FB5] =	sst s0;
	s0 =	simm.s32 @!p2 $0x0  }
0x16: {  	s3 =	sld [smem:$0x3FDB];
	s0 =	simm.s32 @p2 $0x1  }
0x17: {  	s4 =	simm.s32 $0x1BF5;
	[smem:$0x3FB7] =	sst s0  }
0x18: {  	s0 =	sld [smem:$0x3F9A];
	_ =	swait.ge [sflag:s4], $0x0  }
0x19: {  	s7 =	sld [smem:$0x3F9B]  }
0x1a: {  	s8 =	sadd.s32 $0xFFFFE003, lr  }
0x1b: {  	s9 =	sadd.s32 $0xFFFFFEF7, lr;
	s5 =	simm.s32 $0xFFFFFFFF;
	p2 =	slt.u32 s8, $0xFFFFF086  }
0x1c: {  	p1 =	slt.u32 s9, $0xF7A;
	s5 =	simm.s32 @!p2 $0x0  }
0x1d: {  	s5 =	simm.s32 @p1 $0x1;
	p0 =	seq.s32 s7, s2  }
0x1e: {  	s7 =	smul.u32 @!p0 $0xF7A, s2;
	p2 =	seq.s32 @!p0 s5, $0x0  }
0x1f: {  	s9 =	smul.u32 $0xF7A, s1;
	s8 =	simm.s32 @!p0 $0x1BF5;
	p2 =	por !p2, p0  }
0x20: {  	[sflag:s8] =	ssyncset.s32 @!p0 $0xFFFFF086;
	s6 =	sadd.s32 @!p0 s3, s7;
	s7 =	simm.s32 @!p0 $0x108  }
0x21: {  	s3 =	sadd.s32 s3, s9;
	s6 =	sadd.s32 @!p0 $0x88, s6;
	s7 =	simm.s32 @p2 $0x1082  }
0x22: {  	[simem:s7], [sflag:s8] =	dma.local @!p0 [hbm:s6], $0xF7A  }
0x23: {  	s9 =	sor.u32 $0xD0000000, s2;
	s6 =	simm.s32 $0x108;
	_ =	swait.ge @!p0 [sflag:s8], $0x0  }
0x24: {  	s3 =	sadd.s32 $0x88, s3;
	s6 =	simm.s32 @!p1 $0x1082;
	[sflag:s4] =	ssyncset.s32 $0xFFFFF086  }
0x25: {  	[simem:s6], [sflag:s4] =	dma.local [hbm:s3], $0xF7A  }
0x26: {  	[smem:$0x3F9B] =	sst s1;
	(tag) =	ssettag s2;
	_ =	strace s9  }
0x27: {  	s1 =	sld [smem:$0x3FAB]  }
0x28: {  	s2 =	sld [smem:$0x3FAC]  }
0x29: {  	s4 =	sld [smem:$0x3FAE]  }
0x2a: {  	p0 =	seq.s32 s5, $0x0;
	s5 =	sld [smem:$0x3FAF]  }
0x2b: {  	s6 =	sld [smem:$0x3FB0]  }
0x2c: {  	s7 =	sld [smem:$0x3FB1]  }
0x2d: {  	s3 =	simm.s32 $0x108;
	s8 =	sld [smem:$0x3FB2]  }
0x2e: {  	s3 =	simm.s32 @!p0 $0x1082;
	s9 =	sld [smem:$0x3FB3]  }
0x2f: {  	lr =	sadd.s32 s0, s3;
	s0 =	sld [smem:$0x3FAA]  }
0x30: {  	s3 =	sld [smem:$0x3FAD]  }
0x31: {  	[smem:$0x3FB6] =	sst s10  }
0x32: {  	s10 =	sld [smem:$0x3FB4];
	_ =	sdelay $0x3  }
0x33: {  	p0 =	seq.s32 s10, $0x1;
	s10 =	sld [smem:$0x3FB6];
	_ =	sdelay $0x3  }
0x34: {  	[smem:$0x3FB6] =	sst s10  }
0x35: {  	s10 =	sld [smem:$0x3FB5];
	_ =	sdelay $0x3  }
0x36: {  	p1 =	seq.s32 s10, $0x1;
	s10 =	sld [smem:$0x3FB6];
	_ =	sdelay $0x3  }
0x37: {  	[smem:$0x3FB6] =	sst s10  }
0x38: {  	s10 =	sld [smem:$0x3FB7]  }
0x39: {  	_ = 	snop;
	(pc) =	sbr.ind lr, $3  }
0x3a: {  	_ = 	snop  }
0x3b: {  	_ = 	snop  }
0x3c: {  	p2 =	seq.s32 s10, $0x1;
	s10 =	sld [smem:$0x3FB6]  }
0x3d: {  	_ =	shalt  }
0x3e: {  	_ =	shalt  }
0x3f: {  	_ =	shalt  }
0x40: {  	_ =	shalt  }
0x41: {  	_ =	shalt  }
0x42: {  	_ =	shalt  }
0x43: {  	_ =	shalt  }
0x44: {  	_ =	shalt  }
0x45: {  	_ =	shalt  }
0x46: {  	_ =	shalt  }
0x47: {  	_ =	shalt  }
0x48: {  	_ =	shalt  }
0x49: {  	_ =	shalt  }
0x4a: {  	_ =	shalt  }
0x4b: {  	_ =	shalt  }
0x4c: {  	_ =	shalt  }
0x4d: {  	_ =	shalt  }
0x4e: {  	_ =	shalt  }
0x4f: {  	_ =	shalt  }
0x50: {  	_ =	shalt  }
0x51: {  	_ =	shalt  }
0x52: {  	_ =	shalt  }
0x53: {  	_ =	shalt  }
0x54: {  	_ =	shalt  }
0x55: {  	_ =	shalt  }
0x56: {  	_ =	shalt  }
0x57: {  	_ =	shalt  }
0x58: {  	_ =	shalt  }
0x59: {  	_ =	shalt  }
0x5a: {  	_ =	shalt  }
0x5b: {  	_ =	shalt  }
0x5c: {  	_ =	shalt  }
0x5d: {  	_ =	shalt  }
0x5e: {  	_ =	shalt  }
0x5f: {  	_ =	shalt  }
0x60: {  	_ =	shalt  }
0x61: {  	_ =	shalt  }
0x62: {  	_ =	shalt  }
0x63: {  	_ =	shalt  }
0x64: {  	_ =	shalt  }
0x65: {  	_ =	shalt  }
0x66: {  	_ =	shalt  }
0x67: {  	_ =	shalt  }
0x68: {  	_ =	shalt  }
0x69: {  	_ =	shalt  }
0x6a: {  	_ =	shalt  }
0x6b: {  	_ =	shalt  }
0x6c: {  	_ =	shalt  }
0x6d: {  	_ =	shalt  }
0x6e: {  	_ =	shalt  }
0x6f: {  	_ =	shalt  }
0x70: {  	_ =	shalt  }
0x71: {  	_ =	shalt  }
0x72: {  	_ =	shalt  }
0x73: {  	_ =	shalt  }
0x74: {  	_ =	shalt  }
0x75: {  	_ =	shalt  }
0x76: {  	_ =	shalt  }
0x77: {  	_ =	shalt  }
0x78: {  	_ =	shalt  }
0x79: {  	_ =	shalt  }
0x7a: {  	_ =	shalt  }
0x7b: {  	_ =	shalt  }
0x7c: {  	_ =	shalt  }
0x7d: {  	_ =	shalt  }
0x7e: {  	_ =	shalt  }
0x7f: {  	_ =	shalt  }
0x80: {  	_ =	shalt  }
0x81: {  	_ =	shalt  }
0x82: {  	_ =	shalt  }
0x83: {  	_ =	shalt  }
0x84: {  	_ =	shalt  }
0x85: {  	_ =	shalt  }
0x86: {  	_ =	shalt  }
0x87: {  	_ =	shalt  }
.Lfunc_end0:
.L_simem_size_0:
called_computation.2_lowered:
.L_overlay_start_0:
0x88: {  	s2 =	sld [smem:$0x3FD9]  }
0x89: {  	s3 =	sld [smem:$0x3FFE];
	_ =	sdelay $0x1  }
0x8a: {  	s1 =	srdreg.scid  }
0x8b: {  	s0 =	sand.u32 $0x1, s1  }
0x8c: {  	s17 =	sshll.u32 s0, $0xA;
	s2 =	sadd.s32 s3, s2  }
0x8d: {  	s2 =	sadd.s32 s2, s17  }
0x8e: {  	[smem:$0x3FC2] =	sst s2  }
0x8f: {  	_ = 	snop  }
0x90: {  	s2 =	sld [smem:$0x3FD0];
	(tm) =	ssettm $0x1  }
0x91: {  	s18 =	sld [smem:$0x3FFB];
	_ =	sdelay $0x3  }
0x92: {  	_ =	strace s18  }
0x93: {  	s3 =	sld [smem:$0x3FFC];
	_ =	sdelay $0x3  }
0x94: {  	_ =	strace s3  }
0x95: {  	s3 =	sld [smem:$0x3FFD];
	_ =	sdelay $0x3  }
0x96: {  	_ =	strace s3  }
0x97: {  	_ =	strace $0x8FFFFFFF  }
0x98: {  	s19 =	sld [smem:$0x3FDB];
	_ =	sdelay $0x1  }
0x99: {  	s4 =	simm.s32 $_scs_section_size  }
0x9a: {  	s5 =	simm.s32 $_size__tile_overlayer_lowered;
	s6 =	simm.s32 $_tile_overlayer_lowered  }
0x9b: {  	s22 =	simm.s32 $0x1BFF;
	s21 =	sshll.u32 s6, $0x1;
	s3 =	sadd.s32 s4, s19  }
0x9c: {  	s7 =	simm.s32 $0x0;
	s20 =	sshll.u32 s5, $0x1;
	s5 =	sadd.s32 s21, s3  }
0x9d: {  	[timem:s7], [sflag:s22] =	dma.local [hbm:s5], s20  }
0x9e: {  	_ =	swait.ge [sflag:s22], s20  }
0x9f: {  	s4 =	ssub.s32 $0x0, s20;
	[sflag:s22] =	ssyncset.done $0x0  }
0xa0: {  	[sflag:s22] =	ssyncadd.s32 s4;
	_ =	sdelay $0x1  }
0xa1: {  	s23 =	simm.s32 $0x1B8B  }
0xa2: {  	_ =	swait.ge [sflag:s23], $0x1  }
0xa3: {  	[sflag:s23] =	ssyncset.done $0x0  }
0xa4: {  	s25 =	simm.s32 $0x1B8E;
	s24 =	sld [smem:$0x3FFE];
	[sflag:s23] =	ssyncadd.s32 $0xFFFFFFFF  }
0xa5: {  	s26 =	simm.s32 $execute0_lowered;
	[smem:$0x3FD2] =	sst s25  }
0xa6: {  	s5 =	sshll.u32 s26, $0x1;
	_ =	strace $0x8000004C;
	[dreg:$0x1] =	wrdreg $0xFFFFFFFF  }
0xa7: {  	s28 =	simm.s32 $_size_execute0_lowered;
	s3 =	sadd.s32 s3, s5;
	[dreg:$0x0] =	wrdreg $0x0  }
0xa8: {  	s5 =	sshll.u32 s28, $0x1;
	[dreg:$0x2] =	wrdreg s3  }
0xa9: {  	[dreg:$0x3] =	wrdreg s5  }
0xaa: {  	[dreg:$0x4] =	wrdreg $0xC0  }
0xab: {  	_ =	task [dreg:s7], $0x5FFFF  }
0xac: {  	[dreg:$0x1] =	wrdreg $0xFFFFFFFF  }
0xad: {  	[dreg:$0x0] =	wrdreg $0x60  }
0xae: {  	[dreg:$0x2] =	wrdreg s2  }
0xaf: {  	[dreg:$0x3] =	wrdreg s24  }
0xb0: {  	[dreg:$0x4] =	wrdreg $0x9E200  }
0xb1: {  	[dreg:$0x5] =	wrdreg $0x9  }
0xb2: {  	_ =	task.clear_ibuf [dreg:s7], $0x6FFFF;
	_ =	strace $0x9000004C  }
0xb3: {  	s29 =	simm.s32 $0x9;
	_ =	strace $0x8000004E  }
0xb4: {  	_ =	swait.ge [sflag:s29], $0x1  }
0xb5: {  	[sflag:s29] =	ssyncadd.s32 $0xFFFFFFFF  }
0xb6: {  	_ =	strace $0x9000004E  }
0xb7: {  	_ =	sfence  }
0xb8: {  	s30 =	sld [smem:$0x0];
	_ =	sdelay $0x2  }
0xb9: {  	s31 =	sshll.u32 s1, $0xD;
	s1 =	sshrl.u32 s1, $0x2  }
0xba: {  	s3 =	sand.u32 $0x4000, s31;
	s1 =	sadd.s32 s1, s30  }
0xbb: {  	s0 =	sor.u32 s3, s0;
	s1 =	sshll.u32 s1, $0x11  }
0xbc: {  	s0 =	sor.u32 s1, s0  }
0xbd: {  	s0 =	sadd.s32 $0x8F2B, s0  }
0xbe: {  	[sflag:s0] =	ssyncadd.remote.s32 $0x1  }
0xbf: {  	_ =	sfence.sel $0xFFFF  }
0xc0: {  	[dreg:$0x0] =	wrdreg $0xFFFFFFFF;
	(pc) =	sbr.abs _section_cstart, $3  }
0xc1: {  	[dreg:$0x1] =	wrdreg $0xFFFFFFFF  }
0xc2: {  	_ =	task.clear_ibuf [dreg:s7], $0x2FFFF;
	_ =	strace $0x9FFFFFFF  }
0xc3: {  	(tm) =	ssettm $0x7FFFFFFF  }
tec
execute0_lowered:
.L_overlay_start_1:
0x0: {  	(tag) =	ssettag $0x1  }
0x1: {  	s1 =	rddreg [dreg:$0x0]  }
0x2: {  	s0 =	rddreg [dreg:$0x1]  }
0x3: {  	s2 =	rddreg [dreg:$0x2];
	s3 =	srdreg.scid  }
0x4: {  	s4 =	simm.s32 $0x0;
	s26 =	stileid.u32;
	s17 =	simm.s32 $0x3  }
0x5: {  	s18 =	simm.s32 $0x2710;
	s19 =	simm.s32 $0x4E20;
	s20 =	simm.s32 $0x50  }
0x6: {  	s21 =	simm.s32 $0x7620;
	s22 =	simm.s32 $0x1;
	s23 =	simm.s32 $0x2  }
0x7: {  	s24 =	simm.s32 $0x4D30;
	s28 =	simm.s32 $0x4D80;
	s8 =	smul.u32 $0x14000, s26  }
0x8: {  	s29 =	simm.s32 $0x4DD0;
	s5 =	sand.u32 $0x1, s3;
	s10 =	smul.u32 $0x50000, s26  }
0x9: {  	s30 =	simm.s32 $0x0;
	[smem:$0x7FF] =	sst s4;
	s6 =	smul.u32 $0x140000, s5  }
0xa: {  	s7 =	sshll.u32 s5, $0x4;
	_ =	strace $0x8000004D;
	s5 =	ssub.s32 $0x2, s5  }
0xb: {  	s7 =	sor.u32 s26, s7;
	s9 =	sshrl.u32 s5, $0x1;
	s10 =	sshrl.u32 s10, $0x2  }
0xc: {  	s31 =	sadd.s32 s8, s2;
	s26 =	simm.s32 $0x26C0;
	s7 =	smul.u32 $0x4E2, s7  }
0xd: {  	s6 =	sadd.s32 s8, s6;
	s9 =	ssub.s32 s5, s9;
	s8 =	sadd.s32 s10, s2  }
0xe: {  	s25 =	sshrl.u32 s31, $0x3;
	s6 =	sshrl.u32 s6, $0x3;
	s9 =	smax.u32 s9, $0x1  }
0xf: {  	s10 =	sadd.s32 $0x2800, s8;
	s11 =	sadd.s32 $0x5000, s8;
	s12 =	sadd.s32 $0x7800, s8  }
0x10: {  	s13 =	sadd.s32 $0xA000, s8;
	s14 =	sadd.s32 $0xC800, s8;
	s15 =	sadd.s32 $0xF000, s8  }
0x11: {  	s16 =	sadd.s32 $0x11800, s8;
	s7 =	sadd.s32 s7, s0;
	s0 =	sadd.s32 s6, s0  }
0x12: {  	v0 =	vimm.f32 $0.0e+00;
	s5 =	sadd.s32 $0x2000, s7;
	s6 =	sadd.s32 $0xBE00, s7;
	s7 =	sadd.s32 $0x15C00, s0  }
.LBB2_1:
0x13: {  	[tilespmem:s4], [sflag:$0x3] =	stream.linear.gather [hbm4b:s5+s4], $0x2710, $0x38;
	[tilespmem:$0x1DE20] =	vst v63  }
0x14: {  	_ =	swait.ge [sflag:s17], $0x2710  }
0x15: {  	[sflag:s17] =	ssyncset.done $0x0  }
0x16: {  	[sflag:s17] =	ssyncadd.s32 $0xFFFFD8F0  }
0x17: {  	[tilespmem:s18], [sflag:$0x3] =	stream.linear.gather [hbm4b:s6+s4], $0x2710, $0x38;
	[tilespmem:$0x1DE20] =	vst v63  }
0x18: {  	_ =	swait.ge [sflag:s17], $0x2710  }
0x19: {  	[sflag:s17] =	ssyncset.done $0x0  }
0x1a: {  	s31 =	simm.s32 $0x70;
	s0 =	simm.s32 $0x3C0;
	[sflag:s17] =	ssyncadd.s32 $0xFFFFD8F0  }
.LBB2_2:
0x1b: {  	p0 =	sne.s32 s0, $0x9FC0;
	[tilespmem:s31+$0x4E20] =	vst v0  }
0x1c: {  	[tilespmem:s31+$0x4DB0] =	vst v0  }
0x1d: {  	[tilespmem:s31+$0x4DC0] =	vst v0  }
.Ltmp0:
0x1e: {  	[tilespmem:s31+$0x4DD0] =	vst v0;
	(pc) =	sbr.rel @p0 .LBB2_2-.Ltmp0, $4  }
0x1f: {  	[tilespmem:s31+$0x4DE0] =	vst v0  }
0x20: {  	[tilespmem:s31+$0x4DF0] =	vst v0  }
0x21: {  	[tilespmem:s31+$0x4E00] =	vst v0  }
0x22: {  	[tilespmem:s31+$0x4E10] =	vst v0;
	s31 =	sshra.s32 s0, $0x2;
	s0 =	sadd.s32 $0x200, s0  }
0x23: {  	[tilespmem:s31+$0x4E20] =	vst v0  }
0x24: {  	[tilespmem:s31+$0x4DB0] =	vst v0  }
0x25: {  	[tilespmem:s31+$0x4DC0] =	vst v0  }
0x26: {  	[tilespmem:s31+$0x4DD0] =	vst v0  }
0x27: {  	[tilespmem:s31+$0x4DE0] =	vst v0  }
0x28: {  	[tilespmem:s31+$0x4DF0] =	vst v0  }
0x29: {  	[tilespmem:s31+$0x4E00] =	vst v0  }
0x2a: {  	[tilespmem:s31+$0x4E10] =	vst v0  }
0x2b: {  	[spmem:s8] =	stream.linear.scatter [tilespmem:s19], [sflag:$0x3], $0x2800, $0x38;
	[tilespmem:$0x1DE20] =	vst v63  }
0x2c: {  	_ =	swait.ge [sflag:s17], $0x2800  }
0x2d: {  	[sflag:s17] =	ssyncset.done $0x0  }
0x2e: {  	[sflag:s17] =	ssyncadd.s32 $0xFFFFD800  }
0x2f: {  	[spmem:s10] =	stream.linear.scatter [tilespmem:s19], [sflag:$0x3], $0x2800, $0x38;
	[tilespmem:$0x1DE20] =	vst v63  }
0x30: {  	_ =	swait.ge [sflag:s17], $0x2800  }
0x31: {  	[sflag:s17] =	ssyncset.done $0x0  }
0x32: {  	[sflag:s17] =	ssyncadd.s32 $0xFFFFD800  }
0x33: {  	[spmem:s11] =	stream.linear.scatter [tilespmem:s19], [sflag:$0x3], $0x2800, $0x38;
	[tilespmem:$0x1DE20] =	vst v63  }
0x34: {  	_ =	swait.ge [sflag:s17], $0x2800  }
0x35: {  	[sflag:s17] =	ssyncset.done $0x0  }
0x36: {  	[sflag:s17] =	ssyncadd.s32 $0xFFFFD800  }
0x37: {  	[spmem:s12] =	stream.linear.scatter [tilespmem:s19], [sflag:$0x3], $0x2800, $0x38;
	[tilespmem:$0x1DE20] =	vst v63  }
0x38: {  	_ =	swait.ge [sflag:s17], $0x2800  }
0x39: {  	[sflag:s17] =	ssyncset.done $0x0  }
0x3a: {  	[sflag:s17] =	ssyncadd.s32 $0xFFFFD800  }
0x3b: {  	[spmem:s13] =	stream.linear.scatter [tilespmem:s19], [sflag:$0x3], $0x2800, $0x38;
	[tilespmem:$0x1DE20] =	vst v63  }
0x3c: {  	_ =	swait.ge [sflag:s17], $0x2800  }
0x3d: {  	[sflag:s17] =	ssyncset.done $0x0  }
0x3e: {  	[sflag:s17] =	ssyncadd.s32 $0xFFFFD800  }
0x3f: {  	[spmem:s14] =	stream.linear.scatter [tilespmem:s19], [sflag:$0x3], $0x2800, $0x38;
	[tilespmem:$0x1DE20] =	vst v63  }
0x40: {  	_ =	swait.ge [sflag:s17], $0x2800  }
0x41: {  	[sflag:s17] =	ssyncset.done $0x0  }
0x42: {  	[sflag:s17] =	ssyncadd.s32 $0xFFFFD800  }
0x43: {  	[spmem:s15] =	stream.linear.scatter [tilespmem:s19], [sflag:$0x3], $0x2800, $0x38;
	[tilespmem:$0x1DE20] =	vst v63  }
0x44: {  	_ =	swait.ge [sflag:s17], $0x2800  }
0x45: {  	[sflag:s17] =	ssyncset.done $0x0  }
0x46: {  	[sflag:s17] =	ssyncadd.s32 $0xFFFFD800  }
0x47: {  	[spmem:s16] =	stream.linear.scatter [tilespmem:s19], [sflag:$0x3], $0x2800, $0x38;
	[tilespmem:$0x1DE20] =	vst v63  }
0x48: {  	_ =	swait.ge [sflag:s17], $0x2800  }
0x49: {  	[sflag:s17] =	ssyncset.done $0x0  }
0x4a: {  	[sflag:s17] =	ssyncadd.s32 $0xFFFFD800  }
0x4b: {  	s0 =	simm.s32 $0x0;
	[bflag:$0x0] =	sbarrier.arrive $0xFFFF  }
0x4c: {  	[tilespmem:s19], [sflag:$0x1] =	stream.indirect.gather [hbm4b:s1+s20], $0x80, s0, s20, $0xb8;
	[tilespmem:$0x1DE20] =	vst v63  }
0x4d: {  	_ = 	snop  }
0x4e: {  	[tilespmem:s21], [sflag:$0x2] =	stream.indirect.gather [hbm4b:s1+s20], $0x80, s20, s20, $0xb8;
	[tilespmem:$0x1DE20] =	vst v63  }
0x4f: {  	_ =	swait.ge [sflag:s22], $0x2800  }
0x50: {  	[sflag:s22] =	ssyncset.done $0x0  }
0x51: {  	s3 =	simm.s32 $0x2710;
	[sflag:s22] =	ssyncadd.s32 $0xFFFFD800  }
0x52: {  	[spmem:s2] =	stream.indirect.scatter.add.f32 [tilespmem:s19], [sflag:$0x3], $0x80, s3, s20, $0xb8;
	[tilespmem:$0x1DE20] =	vst v63  }
0x53: {  	_ =	swait.ge [sflag:s17], $0x2800  }
0x54: {  	[sflag:s17] =	ssyncset.done $0x0  }
0x55: {  	s3 =	simm.s32 $0xA0;
	[sflag:s17] =	ssyncadd.s32 $0xFFFFD800  }
0x56: {  	[tilespmem:s19], [sflag:$0x1] =	stream.indirect.gather [hbm4b:s1+s20], $0x80, s3, s20, $0xb8;
	[tilespmem:$0x1DE20] =	vst v63  }
0x57: {  	_ =	swait.ge [sflag:s23], $0x2800  }
0x58: {  	[sflag:s23] =	ssyncset.done $0x0  }
0x59: {  	s3 =	simm.s32 $0x2760;
	[sflag:s23] =	ssyncadd.s32 $0xFFFFD800  }
0x5a: {  	[spmem:s2] =	stream.indirect.scatter.add.f32 [tilespmem:s21], [sflag:$0x3], $0x80, s3, s20, $0xb8;
	[tilespmem:$0x1DE20] =	vst v63  }
0x5b: {  	_ =	swait.ge [sflag:s17], $0x2800  }
0x5c: {  	[sflag:s17] =	ssyncset.done $0x0  }
0x5d: {  	s31 =	simm.s32 $0x280;
	s0 =	simm.s32 $0xF0;
	[sflag:s17] =	ssyncadd.s32 $0xFFFFD800  }
.LBB2_4:
0x5e: {  	[tilespmem:s21], [sflag:$0x2] =	stream.indirect.gather [hbm4b:s1+s20], $0x80, s0, s20, $0xb8;
	[tilespmem:$0x1DE20] =	vst v63  }
0x5f: {  	s0 =	smov.u32 s31  }
0x60: {  	p0 =	sne.s32 s31, $0x9600;
	s31 =	sadd.s32 $0x280, s31;
	_ =	swait.ge [sflag:s22], $0x2800  }
0x61: {  	s0 =	sshra.s32 s0, $0x2;
	[sflag:s22] =	ssyncset.done $0x0  }
0x62: {  	s3 =	sadd.s32 $0x2710, s0;
	[sflag:s22] =	ssyncadd.s32 $0xFFFFD800  }
0x63: {  	[spmem:s2] =	stream.indirect.scatter.add.f32 [tilespmem:s19], [sflag:$0x3], $0x80, s3, s20, $0xb8;
	[tilespmem:$0x1DE20] =	vst v63  }
0x64: {  	_ =	swait.ge [sflag:s17], $0x2800  }
0x65: {  	[sflag:s17] =	ssyncset.done $0x0  }
0x66: {  	s3 =	sadd.s32 $0xA0, s0;
	[sflag:s17] =	ssyncadd.s32 $0xFFFFD800  }
0x67: {  	[tilespmem:s19], [sflag:$0x1] =	stream.indirect.gather [hbm4b:s1+s20], $0x80, s3, s20, $0xb8;
	[tilespmem:$0x1DE20] =	vst v63  }
0x68: {  	_ =	swait.ge [sflag:s23], $0x2800  }
0x69: {  	[sflag:s23] =	ssyncset.done $0x0  }
.Ltmp1:
0x6a: {  	s3 =	sadd.s32 $0x2760, s0;
	[sflag:s23] =	ssyncadd.s32 $0xFFFFD800;
	(pc) =	sbr.rel @p0 .LBB2_4-.Ltmp1, $4  }
0x6b: {  	[spmem:s2] =	stream.indirect.scatter.add.f32 [tilespmem:s21], [sflag:$0x3], $0x80, s3, s20, $0xb8;
	[tilespmem:$0x1DE20] =	vst v63  }
0x6c: {  	_ =	swait.ge [sflag:s17], $0x2800  }
0x6d: {  	[sflag:s17] =	ssyncset.done $0x0  }
0x6e: {  	s0 =	sadd.s32 $0xF0, s0;
	[sflag:s17] =	ssyncadd.s32 $0xFFFFD800  }
0x6f: {  	[tilespmem:s21], [sflag:$0x2] =	stream.indirect.gather [hbm4b:s1+s20], $0x80, s0, s20, $0xb8;
	[tilespmem:$0x1DE20] =	vst v63  }
0x70: {  	_ =	swait.ge [sflag:s22], $0x2800  }
0x71: {  	[sflag:s22] =	ssyncset.done $0x0  }
0x72: {  	[sflag:s22] =	ssyncadd.s32 $0xFFFFD800  }
0x73: {  	[spmem:s2] =	stream.indirect.scatter.add.f32 [tilespmem:s19], [sflag:$0x3], $0x80, s24, s20, $0xb8;
	[tilespmem:$0x1DE20] =	vst v63  }
0x74: {  	_ =	swait.ge [sflag:s17], $0x2800  }
0x75: {  	[sflag:s17] =	ssyncset.done $0x0  }
0x76: {  	[sflag:s17] =	ssyncadd.s32 $0xFFFFD800  }
0x77: {  	[tilespmem:s19], [sflag:$0x1] =	stream.indirect.gather [hbm4b:s1+s20], $0x80, s26, s20, $0xb8;
	[tilespmem:$0x1DE20] =	vst v63  }
0x78: {  	_ =	swait.ge [sflag:s23], $0x2800  }
0x79: {  	[sflag:s23] =	ssyncset.done $0x0  }
0x7a: {  	[sflag:s23] =	ssyncadd.s32 $0xFFFFD800  }
0x7b: {  	[spmem:s2] =	stream.indirect.scatter.add.f32 [tilespmem:s21], [sflag:$0x3], $0x80, s28, s20, $0xb8;
	[tilespmem:$0x1DE20] =	vst v63  }
0x7c: {  	_ =	swait.ge [sflag:s17], $0x2800  }
0x7d: {  	[sflag:s17] =	ssyncset.done $0x0  }
0x7e: {  	[sflag:s17] =	ssyncadd.s32 $0xFFFFD800  }
0x7f: {  	_ =	swait.ge [sflag:s22], $0x2800  }
0x80: {  	[sflag:s22] =	ssyncset.done $0x0  }
0x81: {  	[sflag:s22] =	ssyncadd.s32 $0xFFFFD800  }
0x82: {  	[spmem:s2] =	stream.indirect.scatter.add.f32 [tilespmem:s19], [sflag:$0x3], $0x80, s29, s20, $0xb8;
	[tilespmem:$0x1DE20] =	vst v63  }
0x83: {  	_ =	swait.ge [sflag:s17], $0x2800  }
0x84: {  	s31 =	stileid.u32;
	s30 =	sadd.s32 $0x1, s30;
	[sflag:s17] =	ssyncset.done $0x0  }
0x85: {  	s0 =	sshll.u32 s31, $0x6;
	p0 =	sne.s32 s30, s9;
	[sflag:s17] =	ssyncadd.s32 $0xFFFFD800  }
.Ltmp2:
0x86: {  	s0 =	sor.u32 $0x1C03, s0;
	[bflag:$0x0] =	sbarrier.arrive $0xFFFF;
	(pc) =	sbr.rel @p0 .LBB2_1-.Ltmp2, $4  }
0x87: {  	[hbm:s7], [sflag:s0] =	dma.local [spmem:s25], $0x2800  }
0x88: {  	_ =	swait.ge [sflag:s17], $0x2800  }
0x89: {  	[sflag:s17] =	ssyncset.done $0x0  }
0x8a: {  	[sflag:s17] =	ssyncadd.s32 $0xFFFFD800  }
0x8b: {  	_ =	sfence.sel $0x180000  }
0x8c: {  	[bflag:$0x0] =	sbarrier.arrive $0xFFFF  }
0x8d: {  	_ =	strace $0x9000004D  }
0x8e: {  	s0 =	stileid.u32;
	[bflag:$0x2] =	sbarrier.arrive $0xFFFF  }
0x8f: {  	p0 =	sne.s32 s0, $0x0;
	s0 =	rddreg [dreg:$0x3]  }
0x90: {  	s0 =	sadd.s32 @!p0 $0x100000, s0  }
0x91: {  	[sflag:s0] =	ssyncadd.tile.s32 @!p0 $0x1;
	_ =	shalt  }
.Lfunc_end2:
_tile_overlayer_lowered:
.L_overlay_start_2:
0x92: {  	(tag) =	ssettag $0x2  }
0x93: {  	s0 =	rddreg [dreg:$0x0];
	s2 =	stileid.u32  }
0x94: {  	s1 =	rddreg [dreg:$0x1];
	p0 =	sne.s32 s2, $0x0  }
0x95: {  	s3 =	rddreg [dreg:$0x2];
	[bflag:$0x3] =	sbarrier.arrive $0xFFFF;
	s2 =	simm.s32 @!p0 $0x1C03  }
0x96: {  	[timem:s3], [sflag:s2] =	dma.local @!p0 [hbm:s0], s1  }
0x97: {  	s0 =	simm.s32 @!p0 $0x3  }
0x98: {  	_ =	swait.ge @!p0 [sflag:s0], s1  }
0x99: {  	s1 =	ssub.s32 @!p0 $0x0, s1;
	[sflag:s0] =	ssyncset.done @!p0 $0x0  }
0x9a: {  	[sflag:s0] =	ssyncadd.s32 @!p0 s1  }
0x9b: {  	[bflag:$0x3] =	sbarrier.arrive $0xFFFF  }
0x9c: {  	_ =	shalt  }

// kernel: kernel.8.cloned.1.call-start
scs
__scs_entry_jumppad:
0x0: {  	(pc) =	sbr.rel $0x88, $3  }
0x1: {  	(tag) =	ssettag $0x0;
	lr =	simm.s32 $0x1  }
0x2: {  	[smem:$0x3F9B] =	sst lr;
	_ =	strace $0xD0000000  }
0x3: {  	_ = 	snop  }
0x4: {  	_ = 	snop  }
0x5: {  	_ = 	snop  }
0x6: {  	_ = 	snop  }
0x7: {  	_ = 	snop  }
__scs_overlays_trampoline_lowered:
0x8: {  	[smem:$0x3FAA] =	sst s0  }
0x9: {  	[smem:$0x3FAB] =	sst s1  }
0xa: {  	[smem:$0x3FAC] =	sst s2  }
0xb: {  	[smem:$0x3FAD] =	sst s3  }
0xc: {  	[smem:$0x3FAE] =	sst s4  }
0xd: {  	[smem:$0x3FAF] =	sst s5  }
0xe: {  	[smem:$0x3FB0] =	sst s6  }
0xf: {  	[smem:$0x3FB1] =	sst s7  }
0x10: {  	[smem:$0x3FB2] =	sst s8  }
0x11: {  	[smem:$0x3FB3] =	sst s9;
	s0 =	simm.s32 @!p0 $0x0  }
0x12: {  	s1 =	sld [smem:$0x3F99];
	s0 =	simm.s32 @p0 $0x1  }
0x13: {  	[smem:$0x3FB4] =	sst s0;
	s0 =	simm.s32 @!p1 $0x0  }
0x14: {  	s2 =	sld [smem:$0x3F98];
	s0 =	simm.s32 @p1 $0x1  }
0x15: {  	[smem:$0x3FB5] =	sst s0;
	s0 =	simm.s32 @!p2 $0x0  }
0x16: {  	s3 =	sld [smem:$0x3FDB];
	s0 =	simm.s32 @p2 $0x1  }
0x17: {  	s4 =	simm.s32 $0x1BF5;
	[smem:$0x3FB7] =	sst s0  }
0x18: {  	s0 =	sld [smem:$0x3F9A];
	_ =	swait.ge [sflag:s4], $0x0  }
0x19: {  	s7 =	sld [smem:$0x3F9B]  }
0x1a: {  	s8 =	sadd.s32 $0xFFFFE003, lr  }
0x1b: {  	s9 =	sadd.s32 $0xFFFFFEF7, lr;
	s5 =	simm.s32 $0xFFFFFFFF;
	p2 =	slt.u32 s8, $0xFFFFF086  }
0x1c: {  	p1 =	slt.u32 s9, $0xF7A;
	s5 =	simm.s32 @!p2 $0x0  }
0x1d: {  	s5 =	simm.s32 @p1 $0x1;
	p0 =	seq.s32 s7, s2  }
0x1e: {  	s7 =	smul.u32 @!p0 $0xF7A, s2;
	p2 =	seq.s32 @!p0 s5, $0x0  }
0x1f: {  	s9 =	smul.u32 $0xF7A, s1;
	s8 =	simm.s32 @!p0 $0x1BF5;
	p2 =	por !p2, p0  }
0x20: {  	[sflag:s8] =	ssyncset.s32 @!p0 $0xFFFFF086;
	s6 =	sadd.s32 @!p0 s3, s7;
	s7 =	simm.s32 @!p0 $0x108  }
0x21: {  	s3 =	sadd.s32 s3, s9;
	s6 =	sadd.s32 @!p0 $0x88, s6;
	s7 =	simm.s32 @p2 $0x1082  }
0x22: {  	[simem:s7], [sflag:s8] =	dma.local @!p0 [hbm:s6], $0xF7A  }
0x23: {  	s9 =	sor.u32 $0xD0000000, s2;
	s6 =	simm.s32 $0x108;
	_ =	swait.ge @!p0 [sflag:s8], $0x0  }
0x24: {  	s3 =	sadd.s32 $0x88, s3;
	s6 =	simm.s32 @!p1 $0x1082;
	[sflag:s4] =	ssyncset.s32 $0xFFFFF086  }
0x25: {  	[simem:s6], [sflag:s4] =	dma.local [hbm:s3], $0xF7A  }
0x26: {  	[smem:$0x3F9B] =	sst s1;
	(tag) =	ssettag s2;
	_ =	strace s9  }
0x27: {  	s1 =	sld [smem:$0x3FAB]  }
0x28: {  	s2 =	sld [smem:$0x3FAC]  }
0x29: {  	s4 =	sld [smem:$0x3FAE]  }
0x2a: {  	p0 =	seq.s32 s5, $0x0;
	s5 =	sld [smem:$0x3FAF]  }
0x2b: {  	s6 =	sld [smem:$0x3FB0]  }
0x2c: {  	s7 =	sld [smem:$0x3FB1]  }
0x2d: {  	s3 =	simm.s32 $0x108;
	s8 =	sld [smem:$0x3FB2]  }
0x2e: {  	s3 =	simm.s32 @!p0 $0x1082;
	s9 =	sld [smem:$0x3FB3]  }
0x2f: {  	lr =	sadd.s32 s0, s3;
	s0 =	sld [smem:$0x3FAA]  }
0x30: {  	s3 =	sld [smem:$0x3FAD]  }
0x31: {  	[smem:$0x3FB6] =	sst s10  }
0x32: {  	s10 =	sld [smem:$0x3FB4];
	_ =	sdelay $0x3  }
0x33: {  	p0 =	seq.s32 s10, $0x1;
	s10 =	sld [smem:$0x3FB6];
	_ =	sdelay $0x3  }
0x34: {  	[smem:$0x3FB6] =	sst s10  }
0x35: {  	s10 =	sld [smem:$0x3FB5];
	_ =	sdelay $0x3  }
0x36: {  	p1 =	seq.s32 s10, $0x1;
	s10 =	sld [smem:$0x3FB6];
	_ =	sdelay $0x3  }
0x37: {  	[smem:$0x3FB6] =	sst s10  }
0x38: {  	s10 =	sld [smem:$0x3FB7]  }
0x39: {  	_ = 	snop;
	(pc) =	sbr.ind lr, $3  }
0x3a: {  	_ = 	snop  }
0x3b: {  	_ = 	snop  }
0x3c: {  	p2 =	seq.s32 s10, $0x1;
	s10 =	sld [smem:$0x3FB6]  }
0x3d: {  	_ =	shalt  }
0x3e: {  	_ =	shalt  }
0x3f: {  	_ =	shalt  }
0x40: {  	_ =	shalt  }
0x41: {  	_ =	shalt  }
0x42: {  	_ =	shalt  }
0x43: {  	_ =	shalt  }
0x44: {  	_ =	shalt  }
0x45: {  	_ =	shalt  }
0x46: {  	_ =	shalt  }
0x47: {  	_ =	shalt  }
0x48: {  	_ =	shalt  }
0x49: {  	_ =	shalt  }
0x4a: {  	_ =	shalt  }
0x4b: {  	_ =	shalt  }
0x4c: {  	_ =	shalt  }
0x4d: {  	_ =	shalt  }
0x4e: {  	_ =	shalt  }
0x4f: {  	_ =	shalt  }
0x50: {  	_ =	shalt  }
0x51: {  	_ =	shalt  }
0x52: {  	_ =	shalt  }
0x53: {  	_ =	shalt  }
0x54: {  	_ =	shalt  }
0x55: {  	_ =	shalt  }
0x56: {  	_ =	shalt  }
0x57: {  	_ =	shalt  }
0x58: {  	_ =	shalt  }
0x59: {  	_ =	shalt  }
0x5a: {  	_ =	shalt  }
0x5b: {  	_ =	shalt  }
0x5c: {  	_ =	shalt  }
0x5d: {  	_ =	shalt  }
0x5e: {  	_ =	shalt  }
0x5f: {  	_ =	shalt  }
0x60: {  	_ =	shalt  }
0x61: {  	_ =	shalt  }
0x62: {  	_ =	shalt  }
0x63: {  	_ =	shalt  }
0x64: {  	_ =	shalt  }
0x65: {  	_ =	shalt  }
0x66: {  	_ =	shalt  }
0x67: {  	_ =	shalt  }
0x68: {  	_ =	shalt  }
0x69: {  	_ =	shalt  }
0x6a: {  	_ =	shalt  }
0x6b: {  	_ =	shalt  }
0x6c: {  	_ =	shalt  }
0x6d: {  	_ =	shalt  }
0x6e: {  	_ =	shalt  }
0x6f: {  	_ =	shalt  }
0x70: {  	_ =	shalt  }
0x71: {  	_ =	shalt  }
0x72: {  	_ =	shalt  }
0x73: {  	_ =	shalt  }
0x74: {  	_ =	shalt  }
0x75: {  	_ =	shalt  }
0x76: {  	_ =	shalt  }
0x77: {  	_ =	shalt  }
0x78: {  	_ =	shalt  }
0x79: {  	_ =	shalt  }
0x7a: {  	_ =	shalt  }
0x7b: {  	_ =	shalt  }
0x7c: {  	_ =	shalt  }
0x7d: {  	_ =	shalt  }
0x7e: {  	_ =	shalt  }
0x7f: {  	_ =	shalt  }
0x80: {  	_ =	shalt  }
0x81: {  	_ =	shalt  }
0x82: {  	_ =	shalt  }
0x83: {  	_ =	shalt  }
0x84: {  	_ =	shalt  }
0x85: {  	_ =	shalt  }
0x86: {  	_ =	shalt  }
0x87: {  	_ =	shalt  }
.Lfunc_end0:
.L_simem_size_0:
called_computation_lowered:
.L_overlay_start_0:
0x88: {  	s2 =	sld [smem:$0x3FD9]  }
0x89: {  	s3 =	sld [smem:$0x3FFE];
	_ =	sdelay $0x1  }
0x8a: {  	s1 =	srdreg.scid  }
0x8b: {  	s0 =	sand.u32 $0x1, s1  }
0x8c: {  	s17 =	sshll.u32 s0, $0xA;
	s2 =	sadd.s32 s3, s2  }
0x8d: {  	s2 =	sadd.s32 s2, s17  }
0x8e: {  	[smem:$0x3FC2] =	sst s2  }
0x8f: {  	_ = 	snop  }
0x90: {  	s2 =	sld [smem:$0x3FD0];
	(tm) =	ssettm $0x1  }
0x91: {  	s18 =	sld [smem:$0x3FFB];
	_ =	sdelay $0x3  }
0x92: {  	_ =	strace s18  }
0x93: {  	s3 =	sld [smem:$0x3FFC];
	_ =	sdelay $0x3  }
0x94: {  	_ =	strace s3  }
0x95: {  	s3 =	sld [smem:$0x3FFD];
	_ =	sdelay $0x3  }
0x96: {  	_ =	strace s3  }
0x97: {  	_ =	strace $0x8FFFFFFF  }
0x98: {  	s19 =	sld [smem:$0x3FDB];
	_ =	sdelay $0x1  }
0x99: {  	s4 =	simm.s32 $_scs_section_size  }
0x9a: {  	s5 =	simm.s32 $_size__tile_overlayer_lowered;
	s6 =	simm.s32 $_tile_overlayer_lowered  }
0x9b: {  	s22 =	simm.s32 $0x1BFF;
	s21 =	sshll.u32 s6, $0x1;
	s3 =	sadd.s32 s4, s19  }
0x9c: {  	s7 =	simm.s32 $0x0;
	s20 =	sshll.u32 s5, $0x1;
	s5 =	sadd.s32 s21, s3  }
0x9d: {  	[timem:s7], [sflag:s22] =	dma.local [hbm:s5], s20  }
0x9e: {  	_ =	swait.ge [sflag:s22], s20  }
0x9f: {  	s4 =	ssub.s32 $0x0, s20;
	[sflag:s22] =	ssyncset.done $0x0  }
0xa0: {  	[sflag:s22] =	ssyncadd.s32 s4;
	_ =	sdelay $0x1  }
0xa1: {  	s23 =	simm.s32 $0x1B8B  }
0xa2: {  	_ =	swait.ge [sflag:s23], $0x1  }
0xa3: {  	[sflag:s23] =	ssyncset.done $0x0  }
0xa4: {  	s25 =	simm.s32 $0x1B8E;
	s24 =	sld [smem:$0x3FFE];
	[sflag:s23] =	ssyncadd.s32 $0xFFFFFFFF  }
0xa5: {  	s26 =	simm.s32 $execute0_lowered;
	[smem:$0x3FD2] =	sst s25  }
0xa6: {  	s5 =	sshll.u32 s26, $0x1;
	_ =	strace $0x80000046;
	[dreg:$0x1] =	wrdreg $0xFFFFFFFF  }
0xa7: {  	s28 =	simm.s32 $_size_execute0_lowered;
	s3 =	sadd.s32 s3, s5;
	[dreg:$0x0] =	wrdreg $0x0  }
0xa8: {  	s5 =	sshll.u32 s28, $0x1;
	[dreg:$0x2] =	wrdreg s3  }
0xa9: {  	[dreg:$0x3] =	wrdreg s5  }
0xaa: {  	[dreg:$0x4] =	wrdreg $0xC0  }
0xab: {  	_ =	task [dreg:s7], $0x5FFFF  }
0xac: {  	[dreg:$0x1] =	wrdreg $0xFFFFFFFF  }
0xad: {  	[dreg:$0x0] =	wrdreg $0x60  }
0xae: {  	[dreg:$0x2] =	wrdreg s24  }
0xaf: {  	[dreg:$0x3] =	wrdreg s2  }
0xb0: {  	[dreg:$0x4] =	wrdreg $0x8B100  }
0xb1: {  	[dreg:$0x5] =	wrdreg $0x9  }
0xb2: {  	_ =	task.clear_ibuf [dreg:s7], $0x6FFFF;
	_ =	strace $0x90000046  }
0xb3: {  	s29 =	simm.s32 $0x9;
	_ =	strace $0x80000048  }
0xb4: {  	_ =	swait.ge [sflag:s29], $0x1  }
0xb5: {  	[sflag:s29] =	ssyncadd.s32 $0xFFFFFFFF  }
0xb6: {  	_ =	strace $0x90000048  }
0xb7: {  	_ =	sfence  }
0xb8: {  	s30 =	sld [smem:$0x0];
	_ =	sdelay $0x2  }
0xb9: {  	s31 =	sshll.u32 s1, $0xD;
	s1 =	sshrl.u32 s1, $0x2  }
0xba: {  	s3 =	sand.u32 $0x4000, s31;
	s1 =	sadd.s32 s1, s30  }
0xbb: {  	s0 =	sor.u32 s3, s0;
	s1 =	sshll.u32 s1, $0x11  }
0xbc: {  	s0 =	sor.u32 s1, s0  }
0xbd: {  	s0 =	sadd.s32 $0x8F2B, s0  }
0xbe: {  	[sflag:s0] =	ssyncadd.remote.s32 $0x1  }
0xbf: {  	_ =	sfence.sel $0xFFFF  }
0xc0: {  	[dreg:$0x0] =	wrdreg $0xFFFFFFFF;
	(pc) =	sbr.abs _section_cstart, $3  }
0xc1: {  	[dreg:$0x1] =	wrdreg $0xFFFFFFFF  }
0xc2: {  	_ =	task.clear_ibuf [dreg:s7], $0x2FFFF;
	_ =	strace $0x9FFFFFFF  }
0xc3: {  	(tm) =	ssettm $0x7FFFFFFF  }
tec
execute0_lowered:
.L_overlay_start_1:
0x0: {  	(tag) =	ssettag $0x1  }
0x1: {  	s4 =	rddreg [dreg:$0x0]  }
0x2: {  	s6 =	rddreg [dreg:$0x1]  }
0x3: {  	s0 =	srdreg.scid;
	s7 =	rddreg [dreg:$0x2]  }
0x4: {  	s2 =	simm.s32 $0x0;
	s3 =	sand.u32 $0x1, s0;
	s0 =	stileid.u32  }
0x5: {  	s12 =	simm.s32 $0x4F10;
	s13 =	simm.s32 $0x7710;
	s8 =	smul.u32 $0xA000, s0  }
0x6: {  	s14 =	simm.s32 $0x0;
	[smem:$0x7FF] =	sst s2;
	s9 =	smul.u32 $0xA00, s0  }
0x7: {  	s1 =	sshll.u32 s3, $0x4;
	s10 =	ssub.s32 $0x2, s3;
	s11 =	smul.u32 $0x14000, s3  }
0x8: {  	s26 =	smul.u32 $0x1400, s0;
	s1 =	sor.u32 s0, s1;
	s25 =	sshrl.u32 s10, $0x1  }
0x9: {  	s5 =	smul.u32 $0x4E2, s1;
	s1 =	rddreg [dreg:$0x3];
	_ =	strace $0x80000047  }
0xa: {  	s10 =	ssub.s32 s10, s25;
	s28 =	sshrl.u32 s8, $0x2;
	s29 =	sshrl.u32 s9, $0x2  }
0xb: {  	s30 =	sadd.s32 s26, s11;
	s8 =	simm.s32 $0x1;
	s9 =	simm.s32 $0x2710  }
0xc: {  	s11 =	simm.s32 $0x2800;
	s31 =	sshrl.u32 s30, $0x3;
	s24 =	sadd.s32 s5, s4  }
0xd: {  	v2 =	vlaneseq.u32;
	s4 =	sadd.s32 s28, s7;
	s5 =	sadd.s32 s29, s7;
	s6 =	sadd.s32 s6, s31  }
0xe: {  	v0 =	vimm.f32 $0.0e+00;
	v1 =	vimm.f32 $1.000000000e+00;
	v2 =	vmul.u32 $0x8, v2;
	s7 =	smax.u32 s10, $0x1;
	s10 =	simm.s32 $0x280;
	s3 =	sadd.s32 $0xBE00, s24  }
.LBB2_1:
0xf: {  	[tilespmem:s2], [sflag:$0x1] =	stream.linear.gather [hbm4b:s3+s2], $0x2710, $0x38;
	[tilespmem:$0xB310] =	vst v63  }
0x10: {  	_ =	swait.ge [sflag:s8], $0x2710  }
0x11: {  	[sflag:s8] =	ssyncset.done $0x0  }
0x12: {  	s15 =	simm.s32 $0x0;
	[sflag:s8] =	ssyncadd.s32 $0xFFFFD8F0  }
.LBB2_2:
0x13: {  	p0 =	sne.s32 s15, $0x9FC0  }
.Ltmp0:
0x14: {  	_ = 	snop;
	(pc) =	sbr.rel @p0 .LBB2_2-.Ltmp0, $3  }
0x15: {  	_ =	sdelay $0x1  }
0x16: {  	s16 =	sshra.s32 s15, $0x2  }
0x17: {  	s15 =	sadd.s32 $0x40, s15;
	[tilespmem:s16+$0x2710] =	vst v0  }
0x18: {  	s16 =	simm.s32 $0x0;
	s15 =	simm.s32 $0x40  }
.LBB2_4:
0x19: {  	p0 =	sne.s32 s15, $0x9C00;
	v3 =	vld [tilespmem:s16+$0x0];
	_ =	sdelay $0x3  }
.Ltmp1:
0x1a: {  	(pc) =	sbr.rel @p0 .LBB2_4-.Ltmp1, $2  }
0x1b: {  	_ =	sdelay $0x2  }
0x1c: {  	s16 =	sshra.s32 s15, $0x2;
	s15 =	sadd.s32 $0x40, s15;
	[tilespmem:v3+s9+$0x0] =	vst.idx.add.f32.msk $0xffff, v1  }
0x1d: {  	v3 =	vld [tilespmem:s16+$0x0];
	_ =	sdelay $0x7  }
0x1e: {  	[tilespmem:v3+s9+$0x0] =	vst.idx.add.f32.msk $0xffff, v1  }
0x1f: {  	[spmem:s4] =	stream.linear.scatter [tilespmem:s9], [sflag:$0x1], $0x2800, $0x38;
	[tilespmem:$0xB310] =	vst v63  }
0x20: {  	_ =	swait.ge [sflag:s8], $0x2800  }
0x21: {  	[sflag:s8] =	ssyncset.done $0x0  }
0x22: {  	[sflag:s8] =	ssyncadd.s32 $0xFFFFD800  }
0x23: {  	[bflag:$0x0] =	sbarrier.arrive $0xFFFF  }
0x24: {  	[tilespmem:s12], [sflag:$0x1] =	stream.strided.gather [spmem:s5], $0x2800, s11, s10, $0x38;
	[tilespmem:$0xB310] =	vst v63  }
0x25: {  	_ =	swait.ge [sflag:s8], $0x2800  }
0x26: {  	[sflag:s8] =	ssyncset.done $0x0  }
0x27: {  	s15 =	simm.s32 $0x6310;
	[sflag:s8] =	ssyncadd.s32 $0xFFFFD800  }
0x28: {  	v3 =	vld [tilespmem:s15+$0xFFFFEE80]  }
0x29: {  	s16 =	simm.s32 $0x0;
	s17 =	simm.s32 $0x10;
	v4 =	vld [tilespmem:s15+$0xFFFFEC00]  }
.LBB2_6:
0x2a: {  	p0 =	sne.s32 s17, $0x270  }
0x2b: {  	v5 =	vld [tilespmem:s15+$0xFFFFF100];
	_ =	sdelay $0x1  }
0x2c: {  	v6 =	vld [tilespmem:s15+$0xFFFFF380]  }
0x2d: {  	v3 =	vadd.f32 v3, v4  }
0x2e: {  	v4 =	vld [tilespmem:s15+$0xFFFFF600]  }
0x2f: {  	v3 =	vadd.f32 v5, v3  }
0x30: {  	v5 =	vld [tilespmem:s15+$0xFFFFF880]  }
0x31: {  	v3 =	vadd.f32 v6, v3  }
0x32: {  	v6 =	vld [tilespmem:s15+$0xFFFFFB00]  }
0x33: {  	v3 =	vadd.f32 v4, v3  }
0x34: {  	v4 =	vld [tilespmem:s15+$0xFFFFFD80]  }
0x35: {  	v3 =	vadd.f32 v5, v3  }
0x36: {  	v5 =	vld [tilespmem:s15+$0x0]  }
0x37: {  	v3 =	vadd.f32 v6, v3  }
0x38: {  	v6 =	vld [tilespmem:s15+$0x280]  }
0x39: {  	v3 =	vadd.f32 v4, v3  }
0x3a: {  	v4 =	vld [tilespmem:s15+$0x500]  }
0x3b: {  	v3 =	vadd.f32 v5, v3  }
0x3c: {  	v5 =	vld [tilespmem:s15+$0x780]  }
0x3d: {  	v3 =	vadd.f32 v6, v3  }
0x3e: {  	v6 =	vld [tilespmem:s15+$0xA00]  }
0x3f: {  	v3 =	vadd.f32 v4, v3  }
0x40: {  	v4 =	vld [tilespmem:s15+$0xC80]  }
0x41: {  	v3 =	vadd.f32 v5, v3  }
0x42: {  	v5 =	vld [tilespmem:s15+$0xF00]  }
0x43: {  	v3 =	vadd.f32 v6, v3  }
0x44: {  	v7 =	vmov s16;
	s16 =	smov.u32 s17;
	v6 =	vld [tilespmem:s15+$0x1180]  }
0x45: {  	v3 =	vadd.f32 v4, v3;
	v4 =	vshll.u32 v7, $0x3  }
0x46: {  	v4 =	vor.u32 v2, v4  }
0x47: {  	v3 =	vadd.f32 v5, v3;
	_ =	sdelay $0x1  }
.Ltmp2:
0x48: {  	v3 =	vadd.f32 v6, v3;
	(pc) =	sbr.rel @p0 .LBB2_6-.Ltmp2, $4  }
0x49: {  	_ = 	snop  }
0x4a: {  	s15 =	sadd.s32 $0x10, s15;
	[tilespmem:v4+s13+$0x0] =	vst.idx.msk $0xffff, v3  }
0x4b: {  	v3 =	vld [tilespmem:s15+$0xFFFFEE80]  }
0x4c: {  	s17 =	sadd.s32 $0x10, s17;
	v4 =	vld [tilespmem:s15+$0xFFFFEC00]  }
0x4d: {  	_ = 	snop  }
0x4e: {  	v5 =	vld [tilespmem:s15+$0xFFFFF100];
	_ =	sdelay $0x1  }
0x4f: {  	v6 =	vld [tilespmem:s15+$0xFFFFF380]  }
0x50: {  	v3 =	vadd.f32 v3, v4  }
0x51: {  	v51 =	vld [tilespmem:s15+$0xFFFFF600]  }
0x52: {  	v3 =	vadd.f32 v5, v3  }
0x53: {  	v52 =	vld [tilespmem:s15+$0xFFFFF880]  }
0x54: {  	v3 =	vadd.f32 v6, v3  }
0x55: {  	v53 =	vld [tilespmem:s15+$0xFFFFFB00]  }
0x56: {  	v3 =	vadd.f32 v51, v3  }
0x57: {  	v54 =	vld [tilespmem:s15+$0xFFFFFD80]  }
0x58: {  	v3 =	vadd.f32 v52, v3  }
0x59: {  	v55 =	vld [tilespmem:s15+$0x0]  }
0x5a: {  	v3 =	vadd.f32 v53, v3  }
0x5b: {  	v56 =	vld [tilespmem:s15+$0x280]  }
0x5c: {  	v3 =	vadd.f32 v54, v3  }
0x5d: {  	v57 =	vld [tilespmem:s15+$0x500]  }
0x5e: {  	v3 =	vadd.f32 v55, v3  }
0x5f: {  	v58 =	vld [tilespmem:s15+$0x780]  }
0x60: {  	v3 =	vadd.f32 v56, v3  }
0x61: {  	v59 =	vld [tilespmem:s15+$0xA00]  }
0x62: {  	v3 =	vadd.f32 v57, v3  }
0x63: {  	v60 =	vld [tilespmem:s15+$0xC80]  }
0x64: {  	v3 =	vadd.f32 v58, v3  }
0x65: {  	v61 =	vld [tilespmem:s15+$0xF00]  }
0x66: {  	v3 =	vadd.f32 v59, v3  }
0x67: {  	v62 =	vld [tilespmem:s15+$0x1180];
	v7 =	vmov s16  }
0x68: {  	v63 =	vshll.u32 v7, $0x3;
	v3 =	vadd.f32 v60, v3  }
0x69: {  	v4 =	vor.u32 v2, v63  }
0x6a: {  	v3 =	vadd.f32 v61, v3;
	_ =	sdelay $0x1  }
0x6b: {  	s14 =	sadd.s32 $0x1, s14;
	v3 =	vadd.f32 v62, v3  }
0x6c: {  	p0 =	sne.s32 s14, s7  }
.Ltmp3:
0x6d: {  	[tilespmem:v4+s13+$0x0] =	vst.idx.msk $0xffff, v3;
	(pc) =	sbr.rel @p0 .LBB2_1-.Ltmp3, $4  }
0x6e: {  	[hbm4b:s6+s2] =	stream.linear.scatter [tilespmem:s13], [sflag:$0x1], $0x1400, $0x38;
	[tilespmem:$0xB310] =	vst v63  }
0x6f: {  	_ =	swait.ge [sflag:s8], $0x1400  }
0x70: {  	[sflag:s8] =	ssyncset.done $0x0  }
0x71: {  	[sflag:s8] =	ssyncadd.s32 $0xFFFFEC00  }
0x72: {  	_ =	sfence.sel $0x180000  }
0x73: {  	[bflag:$0x0] =	sbarrier.arrive $0xFFFF  }
0x74: {  	p0 =	sne.s32 s0, $0x0;
	_ =	strace $0x90000047  }
0x75: {  	s0 =	sadd.s32 @!p0 $0x100000, s1;
	[bflag:$0x2] =	sbarrier.arrive $0xFFFF  }
0x76: {  	[sflag:s0] =	ssyncadd.tile.s32 @!p0 $0x1;
	_ =	shalt  }
.Lfunc_end2:
_tile_overlayer_lowered:
.L_overlay_start_2:
0x77: {  	(tag) =	ssettag $0x2  }
0x78: {  	s0 =	rddreg [dreg:$0x0];
	s2 =	stileid.u32  }
0x79: {  	s1 =	rddreg [dreg:$0x1];
	p0 =	sne.s32 s2, $0x0  }
0x7a: {  	s3 =	rddreg [dreg:$0x2];
	[bflag:$0x3] =	sbarrier.arrive $0xFFFF;
	s2 =	simm.s32 @!p0 $0x1C01  }
0x7b: {  	[timem:s3], [sflag:s2] =	dma.local @!p0 [hbm:s0], s1  }
0x7c: {  	s0 =	simm.s32 @!p0 $0x1  }
0x7d: {  	_ =	swait.ge @!p0 [sflag:s0], s1  }
0x7e: {  	s1 =	ssub.s32 @!p0 $0x0, s1;
	[sflag:s0] =	ssyncset.done @!p0 $0x0  }
0x7f: {  	[sflag:s0] =	ssyncadd.s32 @!p0 s1  }
0x80: {  	[bflag:$0x3] =	sbarrier.arrive $0xFFFF  }
0x81: {  	_ =	shalt  }

</sc_bundles>
